<compile_context>
chip_gen: v7x
topology: tpu7x:2x2x1
jax: 0.10.2.dev20260603
libtpu: 0.0.44.dev20260713+nightly
codegen_flags: <defaults>
</compile_context>

<pallas_src>
import functools

import jax
import jax.numpy as jnp
from jax import lax
from jax.experimental import pallas as pl
from jax.experimental.pallas import tpu as pltpu
from jax.experimental.pallas import tpu_sc as plsc

_N_NODES = 10000
_N_PAD = 10240
_D = 128
_N_GRAPHS = 64
_NC, _NS = 2, 16
_NW = _NC * _NS
_CHUNK = 128
_E_PAD = 327680
_CPT = _E_PAD // (_NW * _CHUNK)
_TILE_ROWS = _N_PAD // _NS
_DUMMY = _N_NODES
_NCLS = 10

_f32 = jnp.float32


def _mesh():
    return plsc.VectorSubcoreMesh(
        core_axis_name="c", subcore_axis_name="s",
        num_cores=_NC, num_subcores=_NS)



@functools.partial(
    pl.kernel,
    out_type=jax.ShapeDtypeStruct((_NW, _N_PAD), _f32),
    mesh=_mesh(),
    compiler_params=pltpu.CompilerParams(needs_layout_passes=False),
    scratch_types=[
        pltpu.VMEM((_CPT, _CHUNK), jnp.int32),
        pltpu.VMEM((_N_PAD,), _f32),
    ],
)
def _hist_kernel(edges_hbm, out_hbm, idx_v, hist):
    c = lax.axis_index("c")
    s = lax.axis_index("s")
    wid = c * _NS + s

    def zero(g, carry):
        hist[pl.ds(g * 16, 16)] = jnp.zeros((16,), _f32)
        return carry

    lax.fori_loop(0, _N_PAD // 16, zero, 0)
    pltpu.sync_copy(edges_hbm.at[1, pl.ds(wid * _CPT, _CPT)], idx_v)
    ones = jnp.ones((16,), _f32)

    def body(r, carry):
        def inner(k, carry2):
            idx = idx_v[r, pl.ds(k * 16, 16)]
            plsc.addupdate_scatter(hist, [idx], ones)
            return carry2
        lax.fori_loop(0, _CHUNK // 16, inner, 0)
        return carry

    lax.fori_loop(0, _CPT, body, 0)
    pltpu.sync_copy(hist, out_hbm.at[wid])



@functools.partial(
    pl.kernel,
    out_type=jax.ShapeDtypeStruct((_NC, _N_PAD, _D), _f32),
    mesh=_mesh(),
    scratch_types=[
        pltpu.VMEM((_CPT // 2, _CHUNK), jnp.int32),
        pltpu.VMEM((_CPT // 2, _CHUNK), jnp.int32),
        pltpu.VMEM((_CHUNK, _D), _f32),
        pltpu.VMEM((_CHUNK, _D), _f32),
        pltpu.VMEM_SHARED((_N_PAD, _D), _f32),
        pltpu.SemaphoreType.DMA,
        pltpu.SemaphoreType.DMA,
    ],
)
def _edge_kernel(edges_hbm, table_hbm, out_hbm,
                 sidx_all, didx_all, r_a, r_b, acc, sem_a, sem_b):
    c = lax.axis_index("c")
    s = lax.axis_index("s")
    wid = c * _NS + s

    def zrow(r, carry):
        def zseg(k, carry2):
            r_a[r, pl.ds(k * 16, 16)] = jnp.zeros((16,), _f32)
            return carry2
        lax.fori_loop(0, _D // 16, zseg, 0)
        return carry

    lax.fori_loop(0, _CHUNK, zrow, 0)
    for z in range(_TILE_ROWS // _CHUNK):
        pltpu.sync_copy(
            r_a, acc.at[pl.ds(s * _TILE_ROWS + z * _CHUNK, _CHUNK)])
    plsc.subcore_barrier()

    cph = _CPT // 2
    for ph in range(2):
        base = wid * _CPT + ph * cph
        pltpu.sync_copy(edges_hbm.at[0, pl.ds(base, cph)], sidx_all)
        pltpu.sync_copy(edges_hbm.at[1, pl.ds(base, cph)], didx_all)
        pltpu.async_copy(table_hbm.at[sidx_all.at[0]], r_a, sem_a)

        def body(jj, carry):
            j0 = 2 * jj
            j1 = j0 + 1
            j2 = j0 + 2
            pltpu.async_copy(table_hbm.at[sidx_all.at[j1]], r_b, sem_b)
            pltpu.make_async_copy(table_hbm.at[sidx_all.at[j0]], r_a,
                                  sem_a).wait()
            pltpu.sync_copy(r_a, acc.at[didx_all.at[j0]], add=True)

            @pl.when(j2 < cph)
            def _():
                pltpu.async_copy(table_hbm.at[sidx_all.at[j2]], r_a, sem_a)

            pltpu.make_async_copy(table_hbm.at[sidx_all.at[j1]], r_b,
                                  sem_b).wait()
            pltpu.sync_copy(r_b, acc.at[didx_all.at[j1]], add=True)
            return carry

        lax.fori_loop(0, cph // 2, body, 0)
    plsc.subcore_barrier()
    pltpu.sync_copy(acc.at[pl.ds(s * _TILE_ROWS, _TILE_ROWS)],
                    out_hbm.at[c, pl.ds(s * _TILE_ROWS, _TILE_ROWS)])



_BLK = 1024
_NBLK = _N_PAD // _BLK


def _dinv_of(dref):
    return lax.rsqrt(jnp.sum(dref, axis=0) + 1.0)


def _mm1_body(x_ref, w_ref, dh_ref, o_ref):
    dinv = _dinv_of(dh_ref[...])
    h = jnp.dot(x_ref[...], w_ref[...], preferred_element_type=_f32)
    o_ref[...] = h * dinv[:, None]


def _mm1(x_pad, W1, dh):
    return pl.pallas_call(
        _mm1_body,
        grid=(_NBLK,),
        in_specs=[
            pl.BlockSpec((_BLK, _D), lambda i: (i, 0)),
            pl.BlockSpec((_D, _D), lambda i: (0, 0)),
            pl.BlockSpec((_NW, _BLK), lambda i: (0, i)),
        ],
        out_specs=pl.BlockSpec((_BLK, _D), lambda i: (i, 0)),
        out_shape=jax.ShapeDtypeStruct((_N_PAD, _D), _f32),
    )(x_pad, W1, dh)


def _mm2_body(p0_ref, p1_ref, hp_ref, dh_ref, b_ref, w_ref, o_ref):
    dinv = _dinv_of(dh_ref[...])
    pre = (dinv[:, None] * (p0_ref[0] + p1_ref[0] + hp_ref[...])
           + b_ref[...])
    t = jnp.maximum(pre, 0.0)
    h = jnp.dot(t, w_ref[...], preferred_element_type=_f32)
    o_ref[...] = h * dinv[:, None]


def _mm2(p, hp, dh, b, W):
    return pl.pallas_call(
        _mm2_body,
        grid=(_NBLK,),
        in_specs=[
            pl.BlockSpec((1, _BLK, _D), lambda i: (0, i, 0)),
            pl.BlockSpec((1, _BLK, _D), lambda i: (1, i, 0)),
            pl.BlockSpec((_BLK, _D), lambda i: (i, 0)),
            pl.BlockSpec((_NW, _BLK), lambda i: (0, i)),
            pl.BlockSpec((1, _D), lambda i: (0, 0)),
            pl.BlockSpec((_D, _D), lambda i: (0, 0)),
        ],
        out_specs=pl.BlockSpec((_BLK, _D), lambda i: (i, 0)),
        out_shape=jax.ShapeDtypeStruct((_N_PAD, _D), _f32),
    )(p, p, hp, dh, b, W)


def _final_body(p0_ref, p1_ref, hp_ref, dh_ref, b_ref, batch_ref,
                wc_ref, bc_ref, o_ref, gsum, cnt):
    i = pl.program_id(0)

    @pl.when(i == 0)
    def _init():
        gsum[...] = jnp.zeros_like(gsum)
        cnt[...] = jnp.zeros_like(cnt)

    dinv = _dinv_of(dh_ref[...])
    pre = (dinv[:, None] * (p0_ref[0] + p1_ref[0] + hp_ref[...])
           + b_ref[...])
    h3 = jnp.maximum(pre, 0.0)
    gids = batch_ref[...]
    onehot = (gids == lax.broadcasted_iota(jnp.int32, (1, _N_GRAPHS), 1)
              ).astype(_f32)
    dn = (((0,), (0,)), ((), ()))
    gsum[...] += lax.dot_general(onehot, h3, dn, preferred_element_type=_f32)
    cnt[...] += lax.dot_general(onehot, jnp.ones((_BLK, _D), _f32), dn,
                                preferred_element_type=_f32)

    @pl.when(i == _NBLK - 1)
    def _done():
        g = gsum[...] / jnp.maximum(cnt[...], 1.0)
        full = (jnp.dot(g, wc_ref[...], preferred_element_type=_f32)
                + bc_ref[...])
        o_ref[...] = full[:, :_NCLS]


def _final(p, hp, dh, b, batch2d, wc_pad, bc_pad):
    return pl.pallas_call(
        _final_body,
        grid=(_NBLK,),
        in_specs=[
            pl.BlockSpec((1, _BLK, _D), lambda i: (0, i, 0)),
            pl.BlockSpec((1, _BLK, _D), lambda i: (1, i, 0)),
            pl.BlockSpec((_BLK, _D), lambda i: (i, 0)),
            pl.BlockSpec((_NW, _BLK), lambda i: (0, i)),
            pl.BlockSpec((1, _D), lambda i: (0, 0)),
            pl.BlockSpec((_BLK, 1), lambda i: (i, 0)),
            pl.BlockSpec((_D, _D), lambda i: (0, 0)),
            pl.BlockSpec((1, _D), lambda i: (0, 0)),
        ],
        out_specs=pl.BlockSpec((_N_GRAPHS, _NCLS), lambda i: (0, 0)),
        out_shape=jax.ShapeDtypeStruct((_N_GRAPHS, _NCLS), _f32),
        scratch_shapes=[
            pltpu.VMEM((_N_GRAPHS, _D), _f32),
            pltpu.VMEM((_N_GRAPHS, _D), _f32),
        ],
    )(p, p, hp, dh, b, batch2d, wc_pad, bc_pad)



def kernel(x, edge_index, batch, W1, b1, W2, b2, Wc, bc):
    n_edges = edge_index.shape[1]
    pad = _DUMMY + (jnp.arange(_E_PAD - n_edges, dtype=jnp.int32)
                    % (_N_PAD - _N_NODES))
    edges = jnp.concatenate(
        [edge_index.astype(jnp.int32),
         jnp.broadcast_to(pad, (2, _E_PAD - n_edges))], axis=1,
    ).reshape(2, _E_PAD // _CHUNK, _CHUNK)

    x_pad = jnp.pad(x, ((0, _N_PAD - _N_NODES), (0, 0)))
    batch2d = jnp.pad(batch.astype(jnp.int32), (0, _N_PAD - _N_NODES),
                      constant_values=_N_GRAPHS).reshape(_N_PAD, 1)
    ncls = Wc.shape[1]
    wc_pad = jnp.pad(Wc, ((0, 0), (0, _D - ncls)))
    bc_pad = jnp.pad(bc, (0, _D - ncls)).reshape(1, _D)
    b1r = b1.reshape(1, _D)
    b2r = b2.reshape(1, _D)

    dh = _hist_kernel(edges)
    h1p = _mm1(x_pad, W1, dh)
    p1 = _edge_kernel(edges, h1p)
    h2p = _mm2(p1, h1p, dh, b1r, W2)
    p2 = _edge_kernel(edges, h2p)
    return _final(p2, h2p, dh, b2r, batch2d, wc_pad, bc_pad)

# --- scband reference (transcript-rebuilt; emitter-appended) ---
"""Pipeline reference for scband-gcn-54941221650950 (READ-ONLY COPY).

The authoritative reference and input builder live on the scoring server;
editing this copy changes nothing except your own understanding.
"""

import jax, jax.numpy as jnp
import numpy as np

N_NODES = 10000
N_EDGES = 320000
D_IN = 128
D_HID = 128
N_CLASSES = 10
N_GRAPHS = 64


def gcn_conv(x, src, dst, W, b, num_nodes):
    # PyG GCNConv: add self loops, symmetric normalization, linear transform, scatter-add
    loop = jnp.arange(num_nodes, dtype=src.dtype)
    s = jnp.concatenate([src, loop])
    d = jnp.concatenate([dst, loop])
    deg = jnp.zeros((num_nodes,), dtype=x.dtype).at[d].add(1.0)
    dinv = jnp.where(deg > 0, jax.lax.rsqrt(deg), 0.0)
    norm = dinv[s] * dinv[d]
    h = x @ W
    msg = h[s] * norm[:, None]
    out = jnp.zeros((num_nodes, W.shape[1]), dtype=x.dtype).at[d].add(msg)
    return out + b


def global_mean_pool(x, batch, num_graphs):
    sums = jax.ops.segment_sum(x, batch, num_segments=num_graphs)
    cnt = jax.ops.segment_sum(jnp.ones((x.shape[0],), dtype=x.dtype), batch, num_segments=num_graphs)
    return sums / jnp.maximum(cnt, 1.0)[:, None]


def setup_inputs(seed: int = 0) -> dict:
    key = jax.random.key(seed)
    ks = jax.random.split(key, 9)
    x = jax.random.normal(ks[0], (N_NODES, D_IN), dtype=jnp.float32)
    edge_index = jax.random.randint(ks[1], (2, N_EDGES), 0, N_NODES, dtype=jnp.int64 if jax.config.read('jax_enable_x64') else jnp.int32)
    batch = jnp.sort(jax.random.randint(ks[2], (N_NODES,), 0, N_GRAPHS))
    s1 = 1.0 / np.sqrt(D_IN)
    s2 = 1.0 / np.sqrt(D_HID)
    W1 = jax.random.uniform(ks[3], (D_IN, D_HID), minval=-s1, maxval=s1, dtype=jnp.float32)
    b1 = jnp.zeros((D_HID,), dtype=jnp.float32)
    W2 = jax.random.uniform(ks[4], (D_HID, D_HID), minval=-s2, maxval=s2, dtype=jnp.float32)
    b2 = jnp.zeros((D_HID,), dtype=jnp.float32)
    Wc = jax.random.uniform(ks[5], (D_HID, N_CLASSES), minval=-s2, maxval=s2, dtype=jnp.float32)
    bc = jax.random.uniform(ks[6], (N_CLASSES,), minval=-s2, maxval=s2, dtype=jnp.float32)
    return {"x": x, "edge_index": edge_index, "batch": batch,
            "W1": W1, "b1": b1, "W2": W2, "b2": b2, "Wc": Wc, "bc": bc}


def reference(x, edge_index, batch, W1, b1, W2, b2, Wc, bc):
    src, dst = edge_index[0], edge_index[1]
    h = jax.nn.relu(gcn_conv(x, src, dst, W1, b1, N_NODES))
    h = jax.nn.relu(gcn_conv(h, src, dst, W2, b2, N_NODES))
    g = global_mean_pool(h, batch, N_GRAPHS)
    return g @ Wc + bc

if __name__ == "__main__":
    import jax
    _d = setup_inputs()
    print(jax.jit(kernel)(*tuple(_d.values())))

</pallas_src>

<mosaic_0001>
#map = affine_map<(d0, d1) -> (0, 0, 0)>
#map1 = affine_map<(d0, d1) -> (0, 0)>
module attributes {stable_mosaic.version = 14 : i64} {
  func.func @_hist_kernel(%arg0: i32, %arg1: i32, %arg2: memref<2x2560x128xi32, #tpu.memory_space<hbm>>, %arg3: memref<32x10240xf32, #tpu.memory_space<hbm>>, %arg4: memref<80x128xi32, #tpu.memory_space<vmem>>, %arg5: memref<10240xf32, #tpu.memory_space<vmem>>) attributes {dimension_semantics = [#tpu.dimension_semantics<core_parallel>, #tpu.dimension_semantics<subcore_parallel>], iteration_bounds = array<i64: 2, 16>, scalar_prefetch = 0 : i64, scratch_operands = 2 : i64, tpu.core_type = #tpu.core_type<sc_vector_subcore>, window_params = [{transform_indices = #map}, {transform_indices = #map1}]} {
    %mul3A = arith.constant 16 : i32
    %mul3A_0 = arith.muli %arg0, %mul3A : i32
    %add3A = arith.addi %mul3A_0, %arg1 : i32
    %scan3A = arith.constant 0 : i32
    %scan3A_1 = arith.constant 0 : i32
    %scan3A_2 = arith.constant 640 : i32
    %scan3A_3 = arith.addi %scan3A_1, %scan3A_2 : i32
    %scan3A_4 = arith.constant 1 : i32
    scf.for %scan3A_15 = %scan3A_1 to %scan3A_3 step %scan3A_4  : i32 {
      %broadcast_in_dim3A_16 = arith.constant 0.000000e+00 : f32
      %broadcast_in_dim3A_17 = vector.broadcast %broadcast_in_dim3A_16 : f32 to vector<16xf32>
      %mul3A_18 = arith.constant 16 : i32
      %mul3A_19 = arith.muli %scan3A_15, %mul3A_18 : i32
      %swap3A = arith.index_cast %mul3A_19 : i32 to index
      %swap3A_20 = tpu.vector_load %arg5[%swap3A] {strides = array<i32>} : memref<10240xf32, #tpu.memory_space<vmem>>, vector<16xf32>,
      tpu.vector_store %arg5[%swap3A], %broadcast_in_dim3A_17 {strides = array<i32>} : memref<10240xf32, #tpu.memory_space<vmem>>, vector<16xf32>,
    }
    %scan3A_5 = arith.constant 640 : i32
    %mul3A_6 = arith.constant 80 : i32
    %mul3A_7 = arith.muli %add3A, %mul3A_6 : i32
    %run_scoped3A = arith.constant 1 : i32
    "tpu.region"() ({
      %run_scoped3A_15 = tpu.sem_alloc : memref<!tpu.dma_semaphore, #tpu.memory_space<semaphore_mem>>
      %dma_start3A = arith.constant 0 : i32
      %dma_start3A_16 = tpu.memref_slice %arg2[%run_scoped3A, %mul3A_7, %dma_start3A] : memref<2x2560x128xi32, #tpu.memory_space<hbm>> -> memref<1x80x128xi32, #tpu.memory_space<hbm>>
      %dma_start3A_17 = tpu.memref_squeeze %dma_start3A_16 : memref<1x80x128xi32, #tpu.memory_space<hbm>> -> memref<80x128xi32, #tpu.memory_space<hbm>>
      %dma_start3A_18 = arith.constant 0 : i32
      %dma_start3A_19 = tpu.memref_slice %arg2[%run_scoped3A, %mul3A_7, %dma_start3A_18] : memref<2x2560x128xi32, #tpu.memory_space<hbm>> -> memref<1x80x128xi32, #tpu.memory_space<hbm>>
      %dma_start3A_20 = tpu.memref_squeeze %dma_start3A_19 : memref<1x80x128xi32, #tpu.memory_space<hbm>> -> memref<80x128xi32, #tpu.memory_space<hbm>>
      tpu.enqueue_dma source(%dma_start3A_20 : memref<80x128xi32, #tpu.memory_space<hbm>>) target(%arg4 : memref<80x128xi32, #tpu.memory_space<vmem>>) target_semaphore(%run_scoped3A_15 : memref<!tpu.dma_semaphore, #tpu.memory_space<semaphore_mem>>)
      %dma_wait3A = arith.constant 0 : i32
      %dma_wait3A_21 = tpu.memref_slice %arg2[%run_scoped3A, %mul3A_7, %dma_wait3A] : memref<2x2560x128xi32, #tpu.memory_space<hbm>> -> memref<1x80x128xi32, #tpu.memory_space<hbm>>
      %dma_wait3A_22 = tpu.memref_squeeze %dma_wait3A_21 : memref<1x80x128xi32, #tpu.memory_space<hbm>> -> memref<80x128xi32, #tpu.memory_space<hbm>>
      %dma_wait3A_23 = arith.constant 0 : i32
      %dma_wait3A_24 = tpu.memref_slice %arg2[%run_scoped3A, %mul3A_7, %dma_wait3A_23] : memref<2x2560x128xi32, #tpu.memory_space<hbm>> -> memref<1x80x128xi32, #tpu.memory_space<hbm>>
      %dma_wait3A_25 = tpu.memref_squeeze %dma_wait3A_24 : memref<1x80x128xi32, #tpu.memory_space<hbm>> -> memref<80x128xi32, #tpu.memory_space<hbm>>
      tpu.wait_dma2 semaphore(%run_scoped3A_15 : memref<!tpu.dma_semaphore, #tpu.memory_space<semaphore_mem>>) src(%dma_wait3A_25 : memref<80x128xi32, #tpu.memory_space<hbm>>) dst(%arg4 : memref<80x128xi32, #tpu.memory_space<vmem>>)
      tpu.yield
    }) : () -> ()
    %broadcast_in_dim3A = arith.constant 1.000000e+00 : f32
    %broadcast_in_dim3A_8 = vector.broadcast %broadcast_in_dim3A : f32 to vector<16xf32>
    %scan3A_9 = arith.constant 0 : i32
    %scan3A_10 = arith.constant 0 : i32
    %scan3A_11 = arith.constant 80 : i32
    %scan3A_12 = arith.addi %scan3A_10, %scan3A_11 : i32
    %scan3A_13 = arith.constant 1 : i32
    scf.for %scan3A_15 = %scan3A_10 to %scan3A_12 step %scan3A_13  : i32 {
      %scan3A_16 = arith.constant 0 : i32
      %scan3A_17 = arith.constant 0 : i32
      %scan3A_18 = arith.constant 8 : i32
      %scan3A_19 = arith.addi %scan3A_17, %scan3A_18 : i32
      %scan3A_20 = arith.constant 1 : i32
      scf.for %scan3A_22 = %scan3A_17 to %scan3A_19 step %scan3A_20  : i32 {
        %mul3A_23 = arith.constant 16 : i32
        %mul3A_24 = arith.muli %scan3A_22, %mul3A_23 : i32
        %get3A = arith.index_cast %scan3A_15 : i32 to index
        %get3A_25 = arith.index_cast %mul3A_24 : i32 to index
        %get3A_26 = tpu.vector_load %arg4[%get3A, %get3A_25] {strides = array<i32>} : memref<80x128xi32, #tpu.memory_space<vmem>>, vector<16xi32>,
        tpu.vector_store_idx %arg5[%get3A_26], %broadcast_in_dim3A_8 {add = true} : memref<10240xf32, #tpu.memory_space<vmem>>[vector<16xi32>], vector<16xf32>,
      }
      %scan3A_21 = arith.constant 8 : i32
    }
    %scan3A_14 = arith.constant 80 : i32
    "tpu.region"() ({
      %run_scoped3A_15 = tpu.sem_alloc : memref<!tpu.dma_semaphore, #tpu.memory_space<semaphore_mem>>
      %dma_start3A = arith.constant 0 : i32
      %dma_start3A_16 = tpu.memref_slice %arg3[%add3A, %dma_start3A] : memref<32x10240xf32, #tpu.memory_space<hbm>> -> memref<1x10240xf32, #tpu.memory_space<hbm>>
      %dma_start3A_17 = tpu.memref_squeeze %dma_start3A_16 : memref<1x10240xf32, #tpu.memory_space<hbm>> -> memref<10240xf32, #tpu.memory_space<hbm>>
      %dma_start3A_18 = arith.constant 0 : i32
      %dma_start3A_19 = tpu.memref_slice %arg3[%add3A, %dma_start3A_18] : memref<32x10240xf32, #tpu.memory_space<hbm>> -> memref<1x10240xf32, #tpu.memory_space<hbm>>
      %dma_start3A_20 = tpu.memref_squeeze %dma_start3A_19 : memref<1x10240xf32, #tpu.memory_space<hbm>> -> memref<10240xf32, #tpu.memory_space<hbm>>
      tpu.enqueue_dma source(%arg5 : memref<10240xf32, #tpu.memory_space<vmem>>) target(%dma_start3A_20 : memref<10240xf32, #tpu.memory_space<hbm>>) target_semaphore(%run_scoped3A_15 : memref<!tpu.dma_semaphore, #tpu.memory_space<semaphore_mem>>)
      %dma_wait3A = arith.constant 0 : i32
      %dma_wait3A_21 = tpu.memref_slice %arg3[%add3A, %dma_wait3A] : memref<32x10240xf32, #tpu.memory_space<hbm>> -> memref<1x10240xf32, #tpu.memory_space<hbm>>
      %dma_wait3A_22 = tpu.memref_squeeze %dma_wait3A_21 : memref<1x10240xf32, #tpu.memory_space<hbm>> -> memref<10240xf32, #tpu.memory_space<hbm>>
      %dma_wait3A_23 = arith.constant 0 : i32
      %dma_wait3A_24 = tpu.memref_slice %arg3[%add3A, %dma_wait3A_23] : memref<32x10240xf32, #tpu.memory_space<hbm>> -> memref<1x10240xf32, #tpu.memory_space<hbm>>
      %dma_wait3A_25 = tpu.memref_squeeze %dma_wait3A_24 : memref<1x10240xf32, #tpu.memory_space<hbm>> -> memref<10240xf32, #tpu.memory_space<hbm>>
      tpu.wait_dma2 semaphore(%run_scoped3A_15 : memref<!tpu.dma_semaphore, #tpu.memory_space<semaphore_mem>>) src(%arg5 : memref<10240xf32, #tpu.memory_space<vmem>>) dst(%dma_wait3A_25 : memref<10240xf32, #tpu.memory_space<hbm>>)
      tpu.yield
    }) : () -> ()
    return
  }
}

#map = affine_map<(d0, d1) -> (0, 0, 0)>
#map1 = affine_map<(d0, d1) -> (0, 0)>
module attributes {stable_mosaic.version = 14 : i64} {
  func.func @_edge_kernel(%arg0: i32, %arg1: i32, %arg2: memref<2x2560x128xi32, #tpu.memory_space<hbm>>, %arg3: memref<10240x128xf32, #tpu.memory_space<hbm>>, %arg4: memref<2x10240x128xf32, #tpu.memory_space<hbm>>, %arg5: memref<40x128xi32, #tpu.memory_space<vmem>>, %arg6: memref<40x128xi32, #tpu.memory_space<vmem>>, %arg7: memref<128x128xf32, #tpu.memory_space<vmem>>, %arg8: memref<128x128xf32, #tpu.memory_space<vmem>>, %arg9: memref<10240x128xf32, #tpu.memory_space<vmem_shared>>, %arg10: memref<!tpu.dma_semaphore, #tpu.memory_space<semaphore_mem>>, %arg11: memref<!tpu.dma_semaphore, #tpu.memory_space<semaphore_mem>>) attributes {dimension_semantics = [#tpu.dimension_semantics<core_parallel>, #tpu.dimension_semantics<subcore_parallel>], iteration_bounds = array<i64: 2, 16>, scalar_prefetch = 0 : i64, scratch_operands = 7 : i64, tpu.core_type = #tpu.core_type<sc_vector_subcore>, window_params = [{transform_indices = #map}, {transform_indices = #map1}, {transform_indices = #map}]} {
    %mul3A = arith.constant 16 : i32
    %mul3A_0 = arith.muli %arg0, %mul3A : i32
    %add3A = arith.addi %mul3A_0, %arg1 : i32
    %scan3A = arith.constant 0 : i32
    %scan3A_1 = arith.constant 0 : i32
    %scan3A_2 = arith.constant 128 : i32
    %scan3A_3 = arith.addi %scan3A_1, %scan3A_2 : i32
    %scan3A_4 = arith.constant 1 : i32
    scf.for %scan3A_67 = %scan3A_1 to %scan3A_3 step %scan3A_4  : i32 {
      %scan3A_68 = arith.constant 0 : i32
      %scan3A_69 = arith.constant 0 : i32
      %scan3A_70 = arith.constant 8 : i32
      %scan3A_71 = arith.addi %scan3A_69, %scan3A_70 : i32
      %scan3A_72 = arith.constant 1 : i32
      scf.for %scan3A_74 = %scan3A_69 to %scan3A_71 step %scan3A_72  : i32 {
        %broadcast_in_dim3A = arith.constant 0.000000e+00 : f32
        %broadcast_in_dim3A_75 = vector.broadcast %broadcast_in_dim3A : f32 to vector<16xf32>
        %mul3A_76 = arith.constant 16 : i32
        %mul3A_77 = arith.muli %scan3A_74, %mul3A_76 : i32
        %swap3A = arith.index_cast %scan3A_67 : i32 to index
        %swap3A_78 = arith.index_cast %mul3A_77 : i32 to index
        %swap3A_79 = tpu.vector_load %arg7[%swap3A, %swap3A_78] {strides = array<i32>} : memref<128x128xf32, #tpu.memory_space<vmem>>, vector<1x16xf32>,
        %swap3A_80 = vector.shape_cast %swap3A_79 : vector<1x16xf32> to vector<16xf32>
        %swap3A_81 = vector.shape_cast %broadcast_in_dim3A_75 : vector<16xf32> to vector<1x16xf32>
        tpu.vector_store %arg7[%swap3A, %swap3A_78], %swap3A_81 {strides = array<i32>} : memref<128x128xf32, #tpu.memory_space<vmem>>, vector<1x16xf32>,
      }
      %scan3A_73 = arith.constant 8 : i32
    }
    %scan3A_5 = arith.constant 128 : i32
    %mul3A_6 = arith.constant 640 : i32
    %mul3A_7 = arith.muli %arg1, %mul3A_6 : i32
    %add3A_8 = arith.constant 0 : i32
    %add3A_9 = arith.addi %mul3A_7, %add3A_8 : i32
    "tpu.region"() ({
      %run_scoped3A_67 = tpu.sem_alloc : memref<!tpu.dma_semaphore, #tpu.memory_space<semaphore_mem>>
      %dma_start3A_68 = arith.constant 0 : i32
      %dma_start3A_69 = tpu.memref_slice %arg9[%add3A_9, %dma_start3A_68] : memref<10240x128xf32, #tpu.memory_space<vmem_shared>> -> memref<128x128xf32, #tpu.memory_space<vmem_shared>>
      %dma_start3A_70 = arith.constant 0 : i32
      %dma_start3A_71 = tpu.memref_slice %arg9[%add3A_9, %dma_start3A_70] : memref<10240x128xf32, #tpu.memory_space<vmem_shared>> -> memref<128x128xf32, #tpu.memory_space<vmem_shared>>
      tpu.enqueue_dma source(%arg7 : memref<128x128xf32, #tpu.memory_space<vmem>>) target(%dma_start3A_71 : memref<128x128xf32, #tpu.memory_space<vmem_shared>>) target_semaphore(%run_scoped3A_67 : memref<!tpu.dma_semaphore, #tpu.memory_space<semaphore_mem>>)
      %dma_wait3A = arith.constant 0 : i32
      %dma_wait3A_72 = tpu.memref_slice %arg9[%add3A_9, %dma_wait3A] : memref<10240x128xf32, #tpu.memory_space<vmem_shared>> -> memref<128x128xf32, #tpu.memory_space<vmem_shared>>
      %dma_wait3A_73 = arith.constant 0 : i32
      %dma_wait3A_74 = tpu.memref_slice %arg9[%add3A_9, %dma_wait3A_73] : memref<10240x128xf32, #tpu.memory_space<vmem_shared>> -> memref<128x128xf32, #tpu.memory_space<vmem_shared>>
      tpu.wait_dma2 semaphore(%run_scoped3A_67 : memref<!tpu.dma_semaphore, #tpu.memory_space<semaphore_mem>>) src(%arg7 : memref<128x128xf32, #tpu.memory_space<vmem>>) dst(%dma_wait3A_74 : memref<128x128xf32, #tpu.memory_space<vmem_shared>>)
      tpu.yield
    }) : () -> ()
    %mul3A_10 = arith.constant 640 : i32
    %mul3A_11 = arith.muli %arg1, %mul3A_10 : i32
    %add3A_12 = arith.constant 128 : i32
    %add3A_13 = arith.addi %mul3A_11, %add3A_12 : i32
    "tpu.region"() ({
      %run_scoped3A_67 = tpu.sem_alloc : memref<!tpu.dma_semaphore, #tpu.memory_space<semaphore_mem>>
      %dma_start3A_68 = arith.constant 0 : i32
      %dma_start3A_69 = tpu.memref_slice %arg9[%add3A_13, %dma_start3A_68] : memref<10240x128xf32, #tpu.memory_space<vmem_shared>> -> memref<128x128xf32, #tpu.memory_space<vmem_shared>>
      %dma_start3A_70 = arith.constant 0 : i32
      %dma_start3A_71 = tpu.memref_slice %arg9[%add3A_13, %dma_start3A_70] : memref<10240x128xf32, #tpu.memory_space<vmem_shared>> -> memref<128x128xf32, #tpu.memory_space<vmem_shared>>
      tpu.enqueue_dma source(%arg7 : memref<128x128xf32, #tpu.memory_space<vmem>>) target(%dma_start3A_71 : memref<128x128xf32, #tpu.memory_space<vmem_shared>>) target_semaphore(%run_scoped3A_67 : memref<!tpu.dma_semaphore, #tpu.memory_space<semaphore_mem>>)
      %dma_wait3A = arith.constant 0 : i32
      %dma_wait3A_72 = tpu.memref_slice %arg9[%add3A_13, %dma_wait3A] : memref<10240x128xf32, #tpu.memory_space<vmem_shared>> -> memref<128x128xf32, #tpu.memory_space<vmem_shared>>
      %dma_wait3A_73 = arith.constant 0 : i32
      %dma_wait3A_74 = tpu.memref_slice %arg9[%add3A_13, %dma_wait3A_73] : memref<10240x128xf32, #tpu.memory_space<vmem_shared>> -> memref<128x128xf32, #tpu.memory_space<vmem_shared>>
      tpu.wait_dma2 semaphore(%run_scoped3A_67 : memref<!tpu.dma_semaphore, #tpu.memory_space<semaphore_mem>>) src(%arg7 : memref<128x128xf32, #tpu.memory_space<vmem>>) dst(%dma_wait3A_74 : memref<128x128xf32, #tpu.memory_space<vmem_shared>>)
      tpu.yield
    }) : () -> ()
    %mul3A_14 = arith.constant 640 : i32
    %mul3A_15 = arith.muli %arg1, %mul3A_14 : i32
    %add3A_16 = arith.constant 256 : i32
    %add3A_17 = arith.addi %mul3A_15, %add3A_16 : i32
    "tpu.region"() ({
      %run_scoped3A_67 = tpu.sem_alloc : memref<!tpu.dma_semaphore, #tpu.memory_space<semaphore_mem>>
      %dma_start3A_68 = arith.constant 0 : i32
      %dma_start3A_69 = tpu.memref_slice %arg9[%add3A_17, %dma_start3A_68] : memref<10240x128xf32, #tpu.memory_space<vmem_shared>> -> memref<128x128xf32, #tpu.memory_space<vmem_shared>>
      %dma_start3A_70 = arith.constant 0 : i32
      %dma_start3A_71 = tpu.memref_slice %arg9[%add3A_17, %dma_start3A_70] : memref<10240x128xf32, #tpu.memory_space<vmem_shared>> -> memref<128x128xf32, #tpu.memory_space<vmem_shared>>
      tpu.enqueue_dma source(%arg7 : memref<128x128xf32, #tpu.memory_space<vmem>>) target(%dma_start3A_71 : memref<128x128xf32, #tpu.memory_space<vmem_shared>>) target_semaphore(%run_scoped3A_67 : memref<!tpu.dma_semaphore, #tpu.memory_space<semaphore_mem>>)
      %dma_wait3A = arith.constant 0 : i32
      %dma_wait3A_72 = tpu.memref_slice %arg9[%add3A_17, %dma_wait3A] : memref<10240x128xf32, #tpu.memory_space<vmem_shared>> -> memref<128x128xf32, #tpu.memory_space<vmem_shared>>
      %dma_wait3A_73 = arith.constant 0 : i32
      %dma_wait3A_74 = tpu.memref_slice %arg9[%add3A_17, %dma_wait3A_73] : memref<10240x128xf32, #tpu.memory_space<vmem_shared>> -> memref<128x128xf32, #tpu.memory_space<vmem_shared>>
      tpu.wait_dma2 semaphore(%run_scoped3A_67 : memref<!tpu.dma_semaphore, #tpu.memory_space<semaphore_mem>>) src(%arg7 : memref<128x128xf32, #tpu.memory_space<vmem>>) dst(%dma_wait3A_74 : memref<128x128xf32, #tpu.memory_space<vmem_shared>>)
      tpu.yield
    }) : () -> ()
    %mul3A_18 = arith.constant 640 : i32
    %mul3A_19 = arith.muli %arg1, %mul3A_18 : i32
    %add3A_20 = arith.constant 384 : i32
    %add3A_21 = arith.addi %mul3A_19, %add3A_20 : i32
    "tpu.region"() ({
      %run_scoped3A_67 = tpu.sem_alloc : memref<!tpu.dma_semaphore, #tpu.memory_space<semaphore_mem>>
      %dma_start3A_68 = arith.constant 0 : i32
      %dma_start3A_69 = tpu.memref_slice %arg9[%add3A_21, %dma_start3A_68] : memref<10240x128xf32, #tpu.memory_space<vmem_shared>> -> memref<128x128xf32, #tpu.memory_space<vmem_shared>>
      %dma_start3A_70 = arith.constant 0 : i32
      %dma_start3A_71 = tpu.memref_slice %arg9[%add3A_21, %dma_start3A_70] : memref<10240x128xf32, #tpu.memory_space<vmem_shared>> -> memref<128x128xf32, #tpu.memory_space<vmem_shared>>
      tpu.enqueue_dma source(%arg7 : memref<128x128xf32, #tpu.memory_space<vmem>>) target(%dma_start3A_71 : memref<128x128xf32, #tpu.memory_space<vmem_shared>>) target_semaphore(%run_scoped3A_67 : memref<!tpu.dma_semaphore, #tpu.memory_space<semaphore_mem>>)
      %dma_wait3A = arith.constant 0 : i32
      %dma_wait3A_72 = tpu.memref_slice %arg9[%add3A_21, %dma_wait3A] : memref<10240x128xf32, #tpu.memory_space<vmem_shared>> -> memref<128x128xf32, #tpu.memory_space<vmem_shared>>
      %dma_wait3A_73 = arith.constant 0 : i32
      %dma_wait3A_74 = tpu.memref_slice %arg9[%add3A_21, %dma_wait3A_73] : memref<10240x128xf32, #tpu.memory_space<vmem_shared>> -> memref<128x128xf32, #tpu.memory_space<vmem_shared>>
      tpu.wait_dma2 semaphore(%run_scoped3A_67 : memref<!tpu.dma_semaphore, #tpu.memory_space<semaphore_mem>>) src(%arg7 : memref<128x128xf32, #tpu.memory_space<vmem>>) dst(%dma_wait3A_74 : memref<128x128xf32, #tpu.memory_space<vmem_shared>>)
      tpu.yield
    }) : () -> ()
    %mul3A_22 = arith.constant 640 : i32
    %mul3A_23 = arith.muli %arg1, %mul3A_22 : i32
    %add3A_24 = arith.constant 512 : i32
    %add3A_25 = arith.addi %mul3A_23, %add3A_24 : i32
    "tpu.region"() ({
      %run_scoped3A_67 = tpu.sem_alloc : memref<!tpu.dma_semaphore, #tpu.memory_space<semaphore_mem>>
      %dma_start3A_68 = arith.constant 0 : i32
      %dma_start3A_69 = tpu.memref_slice %arg9[%add3A_25, %dma_start3A_68] : memref<10240x128xf32, #tpu.memory_space<vmem_shared>> -> memref<128x128xf32, #tpu.memory_space<vmem_shared>>
      %dma_start3A_70 = arith.constant 0 : i32
      %dma_start3A_71 = tpu.memref_slice %arg9[%add3A_25, %dma_start3A_70] : memref<10240x128xf32, #tpu.memory_space<vmem_shared>> -> memref<128x128xf32, #tpu.memory_space<vmem_shared>>
      tpu.enqueue_dma source(%arg7 : memref<128x128xf32, #tpu.memory_space<vmem>>) target(%dma_start3A_71 : memref<128x128xf32, #tpu.memory_space<vmem_shared>>) target_semaphore(%run_scoped3A_67 : memref<!tpu.dma_semaphore, #tpu.memory_space<semaphore_mem>>)
      %dma_wait3A = arith.constant 0 : i32
      %dma_wait3A_72 = tpu.memref_slice %arg9[%add3A_25, %dma_wait3A] : memref<10240x128xf32, #tpu.memory_space<vmem_shared>> -> memref<128x128xf32, #tpu.memory_space<vmem_shared>>
      %dma_wait3A_73 = arith.constant 0 : i32
      %dma_wait3A_74 = tpu.memref_slice %arg9[%add3A_25, %dma_wait3A_73] : memref<10240x128xf32, #tpu.memory_space<vmem_shared>> -> memref<128x128xf32, #tpu.memory_space<vmem_shared>>
      tpu.wait_dma2 semaphore(%run_scoped3A_67 : memref<!tpu.dma_semaphore, #tpu.memory_space<semaphore_mem>>) src(%arg7 : memref<128x128xf32, #tpu.memory_space<vmem>>) dst(%dma_wait3A_74 : memref<128x128xf32, #tpu.memory_space<vmem_shared>>)
      tpu.yield
    }) : () -> ()
    %barrier3A = arith.constant 0 : index
    tpu.barrier barrier_id(%barrier3A)
    %mul3A_26 = arith.constant 80 : i32
    %mul3A_27 = arith.muli %add3A, %mul3A_26 : i32
    %add3A_28 = arith.constant 0 : i32
    %add3A_29 = arith.addi %mul3A_27, %add3A_28 : i32
    %run_scoped3A = arith.constant 0 : i32
    "tpu.region"() ({
      %run_scoped3A_67 = tpu.sem_alloc : memref<!tpu.dma_semaphore, #tpu.memory_space<semaphore_mem>>
      %dma_start3A_68 = arith.constant 0 : i32
      %dma_start3A_69 = tpu.memref_slice %arg2[%run_scoped3A, %add3A_29, %dma_start3A_68] : memref<2x2560x128xi32, #tpu.memory_space<hbm>> -> memref<1x40x128xi32, #tpu.memory_space<hbm>>
      %dma_start3A_70 = tpu.memref_squeeze %dma_start3A_69 : memref<1x40x128xi32, #tpu.memory_space<hbm>> -> memref<40x128xi32, #tpu.memory_space<hbm>>
      %dma_start3A_71 = arith.constant 0 : i32
      %dma_start3A_72 = tpu.memref_slice %arg2[%run_scoped3A, %add3A_29, %dma_start3A_71] : memref<2x2560x128xi32, #tpu.memory_space<hbm>> -> memref<1x40x128xi32, #tpu.memory_space<hbm>>
      %dma_start3A_73 = tpu.memref_squeeze %dma_start3A_72 : memref<1x40x128xi32, #tpu.memory_space<hbm>> -> memref<40x128xi32, #tpu.memory_space<hbm>>
      tpu.enqueue_dma source(%dma_start3A_73 : memref<40x128xi32, #tpu.memory_space<hbm>>) target(%arg5 : memref<40x128xi32, #tpu.memory_space<vmem>>) target_semaphore(%run_scoped3A_67 : memref<!tpu.dma_semaphore, #tpu.memory_space<semaphore_mem>>)
      %dma_wait3A = arith.constant 0 : i32
      %dma_wait3A_74 = tpu.memref_slice %arg2[%run_scoped3A, %add3A_29, %dma_wait3A] : memref<2x2560x128xi32, #tpu.memory_space<hbm>> -> memref<1x40x128xi32, #tpu.memory_space<hbm>>
      %dma_wait3A_75 = tpu.memref_squeeze %dma_wait3A_74 : memref<1x40x128xi32, #tpu.memory_space<hbm>> -> memref<40x128xi32, #tpu.memory_space<hbm>>
      %dma_wait3A_76 = arith.constant 0 : i32
      %dma_wait3A_77 = tpu.memref_slice %arg2[%run_scoped3A, %add3A_29, %dma_wait3A_76] : memref<2x2560x128xi32, #tpu.memory_space<hbm>> -> memref<1x40x128xi32, #tpu.memory_space<hbm>>
      %dma_wait3A_78 = tpu.memref_squeeze %dma_wait3A_77 : memref<1x40x128xi32, #tpu.memory_space<hbm>> -> memref<40x128xi32, #tpu.memory_space<hbm>>
      tpu.wait_dma2 semaphore(%run_scoped3A_67 : memref<!tpu.dma_semaphore, #tpu.memory_space<semaphore_mem>>) src(%dma_wait3A_78 : memref<40x128xi32, #tpu.memory_space<hbm>>) dst(%arg5 : memref<40x128xi32, #tpu.memory_space<vmem>>)
      tpu.yield
    }) : () -> ()
    %run_scoped3A_30 = arith.constant 1 : i32
    "tpu.region"() ({
      %run_scoped3A_67 = tpu.sem_alloc : memref<!tpu.dma_semaphore, #tpu.memory_space<semaphore_mem>>
      %dma_start3A_68 = arith.constant 0 : i32
      %dma_start3A_69 = tpu.memref_slice %arg2[%run_scoped3A_30, %add3A_29, %dma_start3A_68] : memref<2x2560x128xi32, #tpu.memory_space<hbm>> -> memref<1x40x128xi32, #tpu.memory_space<hbm>>
      %dma_start3A_70 = tpu.memref_squeeze %dma_start3A_69 : memref<1x40x128xi32, #tpu.memory_space<hbm>> -> memref<40x128xi32, #tpu.memory_space<hbm>>
      %dma_start3A_71 = arith.constant 0 : i32
      %dma_start3A_72 = tpu.memref_slice %arg2[%run_scoped3A_30, %add3A_29, %dma_start3A_71] : memref<2x2560x128xi32, #tpu.memory_space<hbm>> -> memref<1x40x128xi32, #tpu.memory_space<hbm>>
      %dma_start3A_73 = tpu.memref_squeeze %dma_start3A_72 : memref<1x40x128xi32, #tpu.memory_space<hbm>> -> memref<40x128xi32, #tpu.memory_space<hbm>>
      tpu.enqueue_dma source(%dma_start3A_73 : memref<40x128xi32, #tpu.memory_space<hbm>>) target(%arg6 : memref<40x128xi32, #tpu.memory_space<vmem>>) target_semaphore(%run_scoped3A_67 : memref<!tpu.dma_semaphore, #tpu.memory_space<semaphore_mem>>)
      %dma_wait3A = arith.constant 0 : i32
      %dma_wait3A_74 = tpu.memref_slice %arg2[%run_scoped3A_30, %add3A_29, %dma_wait3A] : memref<2x2560x128xi32, #tpu.memory_space<hbm>> -> memref<1x40x128xi32, #tpu.memory_space<hbm>>
      %dma_wait3A_75 = tpu.memref_squeeze %dma_wait3A_74 : memref<1x40x128xi32, #tpu.memory_space<hbm>> -> memref<40x128xi32, #tpu.memory_space<hbm>>
      %dma_wait3A_76 = arith.constant 0 : i32
      %dma_wait3A_77 = tpu.memref_slice %arg2[%run_scoped3A_30, %add3A_29, %dma_wait3A_76] : memref<2x2560x128xi32, #tpu.memory_space<hbm>> -> memref<1x40x128xi32, #tpu.memory_space<hbm>>
      %dma_wait3A_78 = tpu.memref_squeeze %dma_wait3A_77 : memref<1x40x128xi32, #tpu.memory_space<hbm>> -> memref<40x128xi32, #tpu.memory_space<hbm>>
      tpu.wait_dma2 semaphore(%run_scoped3A_67 : memref<!tpu.dma_semaphore, #tpu.memory_space<semaphore_mem>>) src(%dma_wait3A_78 : memref<40x128xi32, #tpu.memory_space<hbm>>) dst(%arg6 : memref<40x128xi32, #tpu.memory_space<vmem>>)
      tpu.yield
    }) : () -> ()
    %dma_start3A = arith.constant 0 : i32
    %dma_start3A_31 = arith.constant 0 : i32
    %dma_start3A_32 = tpu.memref_slice %arg5[%dma_start3A, %dma_start3A_31] : memref<40x128xi32, #tpu.memory_space<vmem>> -> memref<1x128xi32, #tpu.memory_space<vmem>>
    %dma_start3A_33 = tpu.memref_squeeze %dma_start3A_32 : memref<1x128xi32, #tpu.memory_space<vmem>> -> memref<128xi32, #tpu.memory_space<vmem>>
    %dma_start3A_34 = arith.constant 0 : i32
    %dma_start3A_35 = arith.constant 0 : i32
    %dma_start3A_36 = tpu.memref_slice %arg3[%dma_start3A_34, %dma_start3A_35] : memref<10240x128xf32, #tpu.memory_space<hbm>> -> memref<10240x128xf32, #tpu.memory_space<hbm>>
    tpu.enqueue_indirect_dma source(%dma_start3A_36 : memref<10240x128xf32, #tpu.memory_space<hbm>>) target(%arg7 : memref<128x128xf32, #tpu.memory_space<vmem>>) offsets(%dma_start3A_33 : memref<128xi32, #tpu.memory_space<vmem>>) semaphore(%arg10 : memref<!tpu.dma_semaphore, #tpu.memory_space<semaphore_mem>>)
    %scan3A_37 = arith.constant 0 : i32
    %scan3A_38 = arith.constant 0 : i32
    %scan3A_39 = arith.constant 20 : i32
    %scan3A_40 = arith.addi %scan3A_38, %scan3A_39 : i32
    %scan3A_41 = arith.constant 1 : i32
    scf.for %scan3A_67 = %scan3A_38 to %scan3A_40 step %scan3A_41  : i32 {
      %mul3A_68 = arith.constant 2 : i32
      %mul3A_69 = arith.muli %mul3A_68, %scan3A_67 : i32
      %add3A_70 = arith.constant 1 : i32
      %add3A_71 = arith.addi %mul3A_69, %add3A_70 : i32
      %add3A_72 = arith.constant 2 : i32
      %add3A_73 = arith.addi %mul3A_69, %add3A_72 : i32
      %dma_start3A_74 = arith.constant 0 : i32
      %dma_start3A_75 = tpu.memref_slice %arg5[%add3A_71, %dma_start3A_74] : memref<40x128xi32, #tpu.memory_space<vmem>> -> memref<1x128xi32, #tpu.memory_space<vmem>>
      %dma_start3A_76 = tpu.memref_squeeze %dma_start3A_75 : memref<1x128xi32, #tpu.memory_space<vmem>> -> memref<128xi32, #tpu.memory_space<vmem>>
      %dma_start3A_77 = arith.constant 0 : i32
      %dma_start3A_78 = arith.constant 0 : i32
      %dma_start3A_79 = tpu.memref_slice %arg3[%dma_start3A_77, %dma_start3A_78] : memref<10240x128xf32, #tpu.memory_space<hbm>> -> memref<10240x128xf32, #tpu.memory_space<hbm>>
      tpu.enqueue_indirect_dma source(%dma_start3A_79 : memref<10240x128xf32, #tpu.memory_space<hbm>>) target(%arg8 : memref<128x128xf32, #tpu.memory_space<vmem>>) offsets(%dma_start3A_76 : memref<128xi32, #tpu.memory_space<vmem>>) semaphore(%arg11 : memref<!tpu.dma_semaphore, #tpu.memory_space<semaphore_mem>>)
      %dma_wait3A = arith.constant 0 : i32
      %dma_wait3A_80 = tpu.memref_slice %arg5[%mul3A_69, %dma_wait3A] : memref<40x128xi32, #tpu.memory_space<vmem>> -> memref<1x128xi32, #tpu.memory_space<vmem>>
      %dma_wait3A_81 = tpu.memref_squeeze %dma_wait3A_80 : memref<1x128xi32, #tpu.memory_space<vmem>> -> memref<128xi32, #tpu.memory_space<vmem>>
      %dma_wait3A_82 = arith.constant 0 : i32
      %dma_wait3A_83 = arith.constant 0 : i32
      %dma_wait3A_84 = tpu.memref_slice %arg3[%dma_wait3A_82, %dma_wait3A_83] : memref<10240x128xf32, #tpu.memory_space<hbm>> -> memref<10240x128xf32, #tpu.memory_space<hbm>>
      tpu.wait_indirect_dma semaphore(%arg10 : memref<!tpu.dma_semaphore, #tpu.memory_space<semaphore_mem>>) src(%dma_wait3A_84 : memref<10240x128xf32, #tpu.memory_space<hbm>>) dst(%arg7 : memref<128x128xf32, #tpu.memory_space<vmem>>)
      "tpu.region"() ({
        %run_scoped3A_93 = tpu.sem_alloc : memref<!tpu.dma_semaphore, #tpu.memory_space<semaphore_mem>>
        %dma_start3A_94 = arith.constant 0 : i32
        %dma_start3A_95 = tpu.memref_slice %arg6[%mul3A_69, %dma_start3A_94] : memref<40x128xi32, #tpu.memory_space<vmem>> -> memref<1x128xi32, #tpu.memory_space<vmem>>
        %dma_start3A_96 = tpu.memref_squeeze %dma_start3A_95 : memref<1x128xi32, #tpu.memory_space<vmem>> -> memref<128xi32, #tpu.memory_space<vmem>>
        %dma_start3A_97 = arith.constant 0 : i32
        %dma_start3A_98 = arith.constant 0 : i32
        %dma_start3A_99 = tpu.memref_slice %arg9[%dma_start3A_97, %dma_start3A_98] : memref<10240x128xf32, #tpu.memory_space<vmem_shared>> -> memref<10240x128xf32, #tpu.memory_space<vmem_shared>>
        tpu.enqueue_indirect_dma source(%arg7 : memref<128x128xf32, #tpu.memory_space<vmem>>) target(%dma_start3A_99 : memref<10240x128xf32, #tpu.memory_space<vmem_shared>>) offsets(%dma_start3A_96 : memref<128xi32, #tpu.memory_space<vmem>>) semaphore(%run_scoped3A_93 : memref<!tpu.dma_semaphore, #tpu.memory_space<semaphore_mem>>) {add = true}
        %dma_wait3A_100 = arith.constant 0 : i32
        %dma_wait3A_101 = tpu.memref_slice %arg6[%mul3A_69, %dma_wait3A_100] : memref<40x128xi32, #tpu.memory_space<vmem>> -> memref<1x128xi32, #tpu.memory_space<vmem>>
        %dma_wait3A_102 = tpu.memref_squeeze %dma_wait3A_101 : memref<1x128xi32, #tpu.memory_space<vmem>> -> memref<128xi32, #tpu.memory_space<vmem>>
        %dma_wait3A_103 = arith.constant 0 : i32
        %dma_wait3A_104 = arith.constant 0 : i32
        %dma_wait3A_105 = tpu.memref_slice %arg9[%dma_wait3A_103, %dma_wait3A_104] : memref<10240x128xf32, #tpu.memory_space<vmem_shared>> -> memref<10240x128xf32, #tpu.memory_space<vmem_shared>>
        tpu.wait_indirect_dma semaphore(%run_scoped3A_93 : memref<!tpu.dma_semaphore, #tpu.memory_space<semaphore_mem>>) src(%arg7 : memref<128x128xf32, #tpu.memory_space<vmem>>) dst(%dma_wait3A_105 : memref<10240x128xf32, #tpu.memory_space<vmem_shared>>)
        tpu.yield
      }) : () -> ()
      %lt3A = arith.constant 40 : i32
      %lt3A_85 = arith.cmpi slt, %add3A_73, %lt3A : i32
      %convert_element_type3A = arith.extui %lt3A_85 : i1 to i32
      %cond3A = arith.constant 0 : i32
      %cond3A_86 = arith.cmpi ne, %convert_element_type3A, %cond3A : i32
      scf.if %cond3A_86 {
        %dma_start3A_93 = arith.constant 0 : i32
        %dma_start3A_94 = tpu.memref_slice %arg5[%add3A_73, %dma_start3A_93] : memref<40x128xi32, #tpu.memory_space<vmem>> -> memref<1x128xi32, #tpu.memory_space<vmem>>
        %dma_start3A_95 = tpu.memref_squeeze %dma_start3A_94 : memref<1x128xi32, #tpu.memory_space<vmem>> -> memref<128xi32, #tpu.memory_space<vmem>>
        %dma_start3A_96 = arith.constant 0 : i32
        %dma_start3A_97 = arith.constant 0 : i32
        %dma_start3A_98 = tpu.memref_slice %arg3[%dma_start3A_96, %dma_start3A_97] : memref<10240x128xf32, #tpu.memory_space<hbm>> -> memref<10240x128xf32, #tpu.memory_space<hbm>>
        tpu.enqueue_indirect_dma source(%dma_start3A_98 : memref<10240x128xf32, #tpu.memory_space<hbm>>) target(%arg7 : memref<128x128xf32, #tpu.memory_space<vmem>>) offsets(%dma_start3A_95 : memref<128xi32, #tpu.memory_space<vmem>>) semaphore(%arg10 : memref<!tpu.dma_semaphore, #tpu.memory_space<semaphore_mem>>)
      } else {
      }
      %dma_wait3A_87 = arith.constant 0 : i32
      %dma_wait3A_88 = tpu.memref_slice %arg5[%add3A_71, %dma_wait3A_87] : memref<40x128xi32, #tpu.memory_space<vmem>> -> memref<1x128xi32, #tpu.memory_space<vmem>>
      %dma_wait3A_89 = tpu.memref_squeeze %dma_wait3A_88 : memref<1x128xi32, #tpu.memory_space<vmem>> -> memref<128xi32, #tpu.memory_space<vmem>>
      %dma_wait3A_90 = arith.constant 0 : i32
      %dma_wait3A_91 = arith.constant 0 : i32
      %dma_wait3A_92 = tpu.memref_slice %arg3[%dma_wait3A_90, %dma_wait3A_91] : memref<10240x128xf32, #tpu.memory_space<hbm>> -> memref<10240x128xf32, #tpu.memory_space<hbm>>
      tpu.wait_indirect_dma semaphore(%arg11 : memref<!tpu.dma_semaphore, #tpu.memory_space<semaphore_mem>>) src(%dma_wait3A_92 : memref<10240x128xf32, #tpu.memory_space<hbm>>) dst(%arg8 : memref<128x128xf32, #tpu.memory_space<vmem>>)
      "tpu.region"() ({
        %run_scoped3A_93 = tpu.sem_alloc : memref<!tpu.dma_semaphore, #tpu.memory_space<semaphore_mem>>
        %dma_start3A_94 = arith.constant 0 : i32
        %dma_start3A_95 = tpu.memref_slice %arg6[%add3A_71, %dma_start3A_94] : memref<40x128xi32, #tpu.memory_space<vmem>> -> memref<1x128xi32, #tpu.memory_space<vmem>>
        %dma_start3A_96 = tpu.memref_squeeze %dma_start3A_95 : memref<1x128xi32, #tpu.memory_space<vmem>> -> memref<128xi32, #tpu.memory_space<vmem>>
        %dma_start3A_97 = arith.constant 0 : i32
        %dma_start3A_98 = arith.constant 0 : i32
        %dma_start3A_99 = tpu.memref_slice %arg9[%dma_start3A_97, %dma_start3A_98] : memref<10240x128xf32, #tpu.memory_space<vmem_shared>> -> memref<10240x128xf32, #tpu.memory_space<vmem_shared>>
        tpu.enqueue_indirect_dma source(%arg8 : memref<128x128xf32, #tpu.memory_space<vmem>>) target(%dma_start3A_99 : memref<10240x128xf32, #tpu.memory_space<vmem_shared>>) offsets(%dma_start3A_96 : memref<128xi32, #tpu.memory_space<vmem>>) semaphore(%run_scoped3A_93 : memref<!tpu.dma_semaphore, #tpu.memory_space<semaphore_mem>>) {add = true}
        %dma_wait3A_100 = arith.constant 0 : i32
        %dma_wait3A_101 = tpu.memref_slice %arg6[%add3A_71, %dma_wait3A_100] : memref<40x128xi32, #tpu.memory_space<vmem>> -> memref<1x128xi32, #tpu.memory_space<vmem>>
        %dma_wait3A_102 = tpu.memref_squeeze %dma_wait3A_101 : memref<1x128xi32, #tpu.memory_space<vmem>> -> memref<128xi32, #tpu.memory_space<vmem>>
        %dma_wait3A_103 = arith.constant 0 : i32
        %dma_wait3A_104 = arith.constant 0 : i32
        %dma_wait3A_105 = tpu.memref_slice %arg9[%dma_wait3A_103, %dma_wait3A_104] : memref<10240x128xf32, #tpu.memory_space<vmem_shared>> -> memref<10240x128xf32, #tpu.memory_space<vmem_shared>>
        tpu.wait_indirect_dma semaphore(%run_scoped3A_93 : memref<!tpu.dma_semaphore, #tpu.memory_space<semaphore_mem>>) src(%arg8 : memref<128x128xf32, #tpu.memory_space<vmem>>) dst(%dma_wait3A_105 : memref<10240x128xf32, #tpu.memory_space<vmem_shared>>)
        tpu.yield
      }) : () -> ()
    }
    %scan3A_42 = arith.constant 20 : i32
    %mul3A_43 = arith.constant 80 : i32
    %mul3A_44 = arith.muli %add3A, %mul3A_43 : i32
    %add3A_45 = arith.constant 40 : i32
    %add3A_46 = arith.addi %mul3A_44, %add3A_45 : i32
    %run_scoped3A_47 = arith.constant 0 : i32
    "tpu.region"() ({
      %run_scoped3A_67 = tpu.sem_alloc : memref<!tpu.dma_semaphore, #tpu.memory_space<semaphore_mem>>
      %dma_start3A_68 = arith.constant 0 : i32
      %dma_start3A_69 = tpu.memref_slice %arg2[%run_scoped3A_47, %add3A_46, %dma_start3A_68] : memref<2x2560x128xi32, #tpu.memory_space<hbm>> -> memref<1x40x128xi32, #tpu.memory_space<hbm>>
      %dma_start3A_70 = tpu.memref_squeeze %dma_start3A_69 : memref<1x40x128xi32, #tpu.memory_space<hbm>> -> memref<40x128xi32, #tpu.memory_space<hbm>>
      %dma_start3A_71 = arith.constant 0 : i32
      %dma_start3A_72 = tpu.memref_slice %arg2[%run_scoped3A_47, %add3A_46, %dma_start3A_71] : memref<2x2560x128xi32, #tpu.memory_space<hbm>> -> memref<1x40x128xi32, #tpu.memory_space<hbm>>
      %dma_start3A_73 = tpu.memref_squeeze %dma_start3A_72 : memref<1x40x128xi32, #tpu.memory_space<hbm>> -> memref<40x128xi32, #tpu.memory_space<hbm>>
      tpu.enqueue_dma source(%dma_start3A_73 : memref<40x128xi32, #tpu.memory_space<hbm>>) target(%arg5 : memref<40x128xi32, #tpu.memory_space<vmem>>) target_semaphore(%run_scoped3A_67 : memref<!tpu.dma_semaphore, #tpu.memory_space<semaphore_mem>>)
      %dma_wait3A = arith.constant 0 : i32
      %dma_wait3A_74 = tpu.memref_slice %arg2[%run_scoped3A_47, %add3A_46, %dma_wait3A] : memref<2x2560x128xi32, #tpu.memory_space<hbm>> -> memref<1x40x128xi32, #tpu.memory_space<hbm>>
      %dma_wait3A_75 = tpu.memref_squeeze %dma_wait3A_74 : memref<1x40x128xi32, #tpu.memory_space<hbm>> -> memref<40x128xi32, #tpu.memory_space<hbm>>
      %dma_wait3A_76 = arith.constant 0 : i32
      %dma_wait3A_77 = tpu.memref_slice %arg2[%run_scoped3A_47, %add3A_46, %dma_wait3A_76] : memref<2x2560x128xi32, #tpu.memory_space<hbm>> -> memref<1x40x128xi32, #tpu.memory_space<hbm>>
      %dma_wait3A_78 = tpu.memref_squeeze %dma_wait3A_77 : memref<1x40x128xi32, #tpu.memory_space<hbm>> -> memref<40x128xi32, #tpu.memory_space<hbm>>
      tpu.wait_dma2 semaphore(%run_scoped3A_67 : memref<!tpu.dma_semaphore, #tpu.memory_space<semaphore_mem>>) src(%dma_wait3A_78 : memref<40x128xi32, #tpu.memory_space<hbm>>) dst(%arg5 : memref<40x128xi32, #tpu.memory_space<vmem>>)
      tpu.yield
    }) : () -> ()
    %run_scoped3A_48 = arith.constant 1 : i32
    "tpu.region"() ({
      %run_scoped3A_67 = tpu.sem_alloc : memref<!tpu.dma_semaphore, #tpu.memory_space<semaphore_mem>>
      %dma_start3A_68 = arith.constant 0 : i32
      %dma_start3A_69 = tpu.memref_slice %arg2[%run_scoped3A_48, %add3A_46, %dma_start3A_68] : memref<2x2560x128xi32, #tpu.memory_space<hbm>> -> memref<1x40x128xi32, #tpu.memory_space<hbm>>
      %dma_start3A_70 = tpu.memref_squeeze %dma_start3A_69 : memref<1x40x128xi32, #tpu.memory_space<hbm>> -> memref<40x128xi32, #tpu.memory_space<hbm>>
      %dma_start3A_71 = arith.constant 0 : i32
      %dma_start3A_72 = tpu.memref_slice %arg2[%run_scoped3A_48, %add3A_46, %dma_start3A_71] : memref<2x2560x128xi32, #tpu.memory_space<hbm>> -> memref<1x40x128xi32, #tpu.memory_space<hbm>>
      %dma_start3A_73 = tpu.memref_squeeze %dma_start3A_72 : memref<1x40x128xi32, #tpu.memory_space<hbm>> -> memref<40x128xi32, #tpu.memory_space<hbm>>
      tpu.enqueue_dma source(%dma_start3A_73 : memref<40x128xi32, #tpu.memory_space<hbm>>) target(%arg6 : memref<40x128xi32, #tpu.memory_space<vmem>>) target_semaphore(%run_scoped3A_67 : memref<!tpu.dma_semaphore, #tpu.memory_space<semaphore_mem>>)
      %dma_wait3A = arith.constant 0 : i32
      %dma_wait3A_74 = tpu.memref_slice %arg2[%run_scoped3A_48, %add3A_46, %dma_wait3A] : memref<2x2560x128xi32, #tpu.memory_space<hbm>> -> memref<1x40x128xi32, #tpu.memory_space<hbm>>
      %dma_wait3A_75 = tpu.memref_squeeze %dma_wait3A_74 : memref<1x40x128xi32, #tpu.memory_space<hbm>> -> memref<40x128xi32, #tpu.memory_space<hbm>>
      %dma_wait3A_76 = arith.constant 0 : i32
      %dma_wait3A_77 = tpu.memref_slice %arg2[%run_scoped3A_48, %add3A_46, %dma_wait3A_76] : memref<2x2560x128xi32, #tpu.memory_space<hbm>> -> memref<1x40x128xi32, #tpu.memory_space<hbm>>
      %dma_wait3A_78 = tpu.memref_squeeze %dma_wait3A_77 : memref<1x40x128xi32, #tpu.memory_space<hbm>> -> memref<40x128xi32, #tpu.memory_space<hbm>>
      tpu.wait_dma2 semaphore(%run_scoped3A_67 : memref<!tpu.dma_semaphore, #tpu.memory_space<semaphore_mem>>) src(%dma_wait3A_78 : memref<40x128xi32, #tpu.memory_space<hbm>>) dst(%arg6 : memref<40x128xi32, #tpu.memory_space<vmem>>)
      tpu.yield
    }) : () -> ()
    %dma_start3A_49 = arith.constant 0 : i32
    %dma_start3A_50 = arith.constant 0 : i32
    %dma_start3A_51 = tpu.memref_slice %arg5[%dma_start3A_49, %dma_start3A_50] : memref<40x128xi32, #tpu.memory_space<vmem>> -> memref<1x128xi32, #tpu.memory_space<vmem>>
    %dma_start3A_52 = tpu.memref_squeeze %dma_start3A_51 : memref<1x128xi32, #tpu.memory_space<vmem>> -> memref<128xi32, #tpu.memory_space<vmem>>
    %dma_start3A_53 = arith.constant 0 : i32
    %dma_start3A_54 = arith.constant 0 : i32
    %dma_start3A_55 = tpu.memref_slice %arg3[%dma_start3A_53, %dma_start3A_54] : memref<10240x128xf32, #tpu.memory_space<hbm>> -> memref<10240x128xf32, #tpu.memory_space<hbm>>
    tpu.enqueue_indirect_dma source(%dma_start3A_55 : memref<10240x128xf32, #tpu.memory_space<hbm>>) target(%arg7 : memref<128x128xf32, #tpu.memory_space<vmem>>) offsets(%dma_start3A_52 : memref<128xi32, #tpu.memory_space<vmem>>) semaphore(%arg10 : memref<!tpu.dma_semaphore, #tpu.memory_space<semaphore_mem>>)
    %scan3A_56 = arith.constant 0 : i32
    %scan3A_57 = arith.constant 0 : i32
    %scan3A_58 = arith.constant 20 : i32
    %scan3A_59 = arith.addi %scan3A_57, %scan3A_58 : i32
    %scan3A_60 = arith.constant 1 : i32
    scf.for %scan3A_67 = %scan3A_57 to %scan3A_59 step %scan3A_60  : i32 {
      %mul3A_68 = arith.constant 2 : i32
      %mul3A_69 = arith.muli %mul3A_68, %scan3A_67 : i32
      %add3A_70 = arith.constant 1 : i32
      %add3A_71 = arith.addi %mul3A_69, %add3A_70 : i32
      %add3A_72 = arith.constant 2 : i32
      %add3A_73 = arith.addi %mul3A_69, %add3A_72 : i32
      %dma_start3A_74 = arith.constant 0 : i32
      %dma_start3A_75 = tpu.memref_slice %arg5[%add3A_71, %dma_start3A_74] : memref<40x128xi32, #tpu.memory_space<vmem>> -> memref<1x128xi32, #tpu.memory_space<vmem>>
      %dma_start3A_76 = tpu.memref_squeeze %dma_start3A_75 : memref<1x128xi32, #tpu.memory_space<vmem>> -> memref<128xi32, #tpu.memory_space<vmem>>
      %dma_start3A_77 = arith.constant 0 : i32
      %dma_start3A_78 = arith.constant 0 : i32
      %dma_start3A_79 = tpu.memref_slice %arg3[%dma_start3A_77, %dma_start3A_78] : memref<10240x128xf32, #tpu.memory_space<hbm>> -> memref<10240x128xf32, #tpu.memory_space<hbm>>
      tpu.enqueue_indirect_dma source(%dma_start3A_79 : memref<10240x128xf32, #tpu.memory_space<hbm>>) target(%arg8 : memref<128x128xf32, #tpu.memory_space<vmem>>) offsets(%dma_start3A_76 : memref<128xi32, #tpu.memory_space<vmem>>) semaphore(%arg11 : memref<!tpu.dma_semaphore, #tpu.memory_space<semaphore_mem>>)
      %dma_wait3A = arith.constant 0 : i32
      %dma_wait3A_80 = tpu.memref_slice %arg5[%mul3A_69, %dma_wait3A] : memref<40x128xi32, #tpu.memory_space<vmem>> -> memref<1x128xi32, #tpu.memory_space<vmem>>
      %dma_wait3A_81 = tpu.memref_squeeze %dma_wait3A_80 : memref<1x128xi32, #tpu.memory_space<vmem>> -> memref<128xi32, #tpu.memory_space<vmem>>
      %dma_wait3A_82 = arith.constant 0 : i32
      %dma_wait3A_83 = arith.constant 0 : i32
      %dma_wait3A_84 = tpu.memref_slice %arg3[%dma_wait3A_82, %dma_wait3A_83] : memref<10240x128xf32, #tpu.memory_space<hbm>> -> memref<10240x128xf32, #tpu.memory_space<hbm>>
      tpu.wait_indirect_dma semaphore(%arg10 : memref<!tpu.dma_semaphore, #tpu.memory_space<semaphore_mem>>) src(%dma_wait3A_84 : memref<10240x128xf32, #tpu.memory_space<hbm>>) dst(%arg7 : memref<128x128xf32, #tpu.memory_space<vmem>>)
      "tpu.region"() ({
        %run_scoped3A_93 = tpu.sem_alloc : memref<!tpu.dma_semaphore, #tpu.memory_space<semaphore_mem>>
        %dma_start3A_94 = arith.constant 0 : i32
        %dma_start3A_95 = tpu.memref_slice %arg6[%mul3A_69, %dma_start3A_94] : memref<40x128xi32, #tpu.memory_space<vmem>> -> memref<1x128xi32, #tpu.memory_space<vmem>>
        %dma_start3A_96 = tpu.memref_squeeze %dma_start3A_95 : memref<1x128xi32, #tpu.memory_space<vmem>> -> memref<128xi32, #tpu.memory_space<vmem>>
        %dma_start3A_97 = arith.constant 0 : i32
        %dma_start3A_98 = arith.constant 0 : i32
        %dma_start3A_99 = tpu.memref_slice %arg9[%dma_start3A_97, %dma_start3A_98] : memref<10240x128xf32, #tpu.memory_space<vmem_shared>> -> memref<10240x128xf32, #tpu.memory_space<vmem_shared>>
        tpu.enqueue_indirect_dma source(%arg7 : memref<128x128xf32, #tpu.memory_space<vmem>>) target(%dma_start3A_99 : memref<10240x128xf32, #tpu.memory_space<vmem_shared>>) offsets(%dma_start3A_96 : memref<128xi32, #tpu.memory_space<vmem>>) semaphore(%run_scoped3A_93 : memref<!tpu.dma_semaphore, #tpu.memory_space<semaphore_mem>>) {add = true}
        %dma_wait3A_100 = arith.constant 0 : i32
        %dma_wait3A_101 = tpu.memref_slice %arg6[%mul3A_69, %dma_wait3A_100] : memref<40x128xi32, #tpu.memory_space<vmem>> -> memref<1x128xi32, #tpu.memory_space<vmem>>
        %dma_wait3A_102 = tpu.memref_squeeze %dma_wait3A_101 : memref<1x128xi32, #tpu.memory_space<vmem>> -> memref<128xi32, #tpu.memory_space<vmem>>
        %dma_wait3A_103 = arith.constant 0 : i32
        %dma_wait3A_104 = arith.constant 0 : i32
        %dma_wait3A_105 = tpu.memref_slice %arg9[%dma_wait3A_103, %dma_wait3A_104] : memref<10240x128xf32, #tpu.memory_space<vmem_shared>> -> memref<10240x128xf32, #tpu.memory_space<vmem_shared>>
        tpu.wait_indirect_dma semaphore(%run_scoped3A_93 : memref<!tpu.dma_semaphore, #tpu.memory_space<semaphore_mem>>) src(%arg7 : memref<128x128xf32, #tpu.memory_space<vmem>>) dst(%dma_wait3A_105 : memref<10240x128xf32, #tpu.memory_space<vmem_shared>>)
        tpu.yield
      }) : () -> ()
      %lt3A = arith.constant 40 : i32
      %lt3A_85 = arith.cmpi slt, %add3A_73, %lt3A : i32
      %convert_element_type3A = arith.extui %lt3A_85 : i1 to i32
      %cond3A = arith.constant 0 : i32
      %cond3A_86 = arith.cmpi ne, %convert_element_type3A, %cond3A : i32
      scf.if %cond3A_86 {
        %dma_start3A_93 = arith.constant 0 : i32
        %dma_start3A_94 = tpu.memref_slice %arg5[%add3A_73, %dma_start3A_93] : memref<40x128xi32, #tpu.memory_space<vmem>> -> memref<1x128xi32, #tpu.memory_space<vmem>>
        %dma_start3A_95 = tpu.memref_squeeze %dma_start3A_94 : memref<1x128xi32, #tpu.memory_space<vmem>> -> memref<128xi32, #tpu.memory_space<vmem>>
        %dma_start3A_96 = arith.constant 0 : i32
        %dma_start3A_97 = arith.constant 0 : i32
        %dma_start3A_98 = tpu.memref_slice %arg3[%dma_start3A_96, %dma_start3A_97] : memref<10240x128xf32, #tpu.memory_space<hbm>> -> memref<10240x128xf32, #tpu.memory_space<hbm>>
        tpu.enqueue_indirect_dma source(%dma_start3A_98 : memref<10240x128xf32, #tpu.memory_space<hbm>>) target(%arg7 : memref<128x128xf32, #tpu.memory_space<vmem>>) offsets(%dma_start3A_95 : memref<128xi32, #tpu.memory_space<vmem>>) semaphore(%arg10 : memref<!tpu.dma_semaphore, #tpu.memory_space<semaphore_mem>>)
      } else {
      }
      %dma_wait3A_87 = arith.constant 0 : i32
      %dma_wait3A_88 = tpu.memref_slice %arg5[%add3A_71, %dma_wait3A_87] : memref<40x128xi32, #tpu.memory_space<vmem>> -> memref<1x128xi32, #tpu.memory_space<vmem>>
      %dma_wait3A_89 = tpu.memref_squeeze %dma_wait3A_88 : memref<1x128xi32, #tpu.memory_space<vmem>> -> memref<128xi32, #tpu.memory_space<vmem>>
      %dma_wait3A_90 = arith.constant 0 : i32
      %dma_wait3A_91 = arith.constant 0 : i32
      %dma_wait3A_92 = tpu.memref_slice %arg3[%dma_wait3A_90, %dma_wait3A_91] : memref<10240x128xf32, #tpu.memory_space<hbm>> -> memref<10240x128xf32, #tpu.memory_space<hbm>>
      tpu.wait_indirect_dma semaphore(%arg11 : memref<!tpu.dma_semaphore, #tpu.memory_space<semaphore_mem>>) src(%dma_wait3A_92 : memref<10240x128xf32, #tpu.memory_space<hbm>>) dst(%arg8 : memref<128x128xf32, #tpu.memory_space<vmem>>)
      "tpu.region"() ({
        %run_scoped3A_93 = tpu.sem_alloc : memref<!tpu.dma_semaphore, #tpu.memory_space<semaphore_mem>>
        %dma_start3A_94 = arith.constant 0 : i32
        %dma_start3A_95 = tpu.memref_slice %arg6[%add3A_71, %dma_start3A_94] : memref<40x128xi32, #tpu.memory_space<vmem>> -> memref<1x128xi32, #tpu.memory_space<vmem>>
        %dma_start3A_96 = tpu.memref_squeeze %dma_start3A_95 : memref<1x128xi32, #tpu.memory_space<vmem>> -> memref<128xi32, #tpu.memory_space<vmem>>
        %dma_start3A_97 = arith.constant 0 : i32
        %dma_start3A_98 = arith.constant 0 : i32
        %dma_start3A_99 = tpu.memref_slice %arg9[%dma_start3A_97, %dma_start3A_98] : memref<10240x128xf32, #tpu.memory_space<vmem_shared>> -> memref<10240x128xf32, #tpu.memory_space<vmem_shared>>
        tpu.enqueue_indirect_dma source(%arg8 : memref<128x128xf32, #tpu.memory_space<vmem>>) target(%dma_start3A_99 : memref<10240x128xf32, #tpu.memory_space<vmem_shared>>) offsets(%dma_start3A_96 : memref<128xi32, #tpu.memory_space<vmem>>) semaphore(%run_scoped3A_93 : memref<!tpu.dma_semaphore, #tpu.memory_space<semaphore_mem>>) {add = true}
        %dma_wait3A_100 = arith.constant 0 : i32
        %dma_wait3A_101 = tpu.memref_slice %arg6[%add3A_71, %dma_wait3A_100] : memref<40x128xi32, #tpu.memory_space<vmem>> -> memref<1x128xi32, #tpu.memory_space<vmem>>
        %dma_wait3A_102 = tpu.memref_squeeze %dma_wait3A_101 : memref<1x128xi32, #tpu.memory_space<vmem>> -> memref<128xi32, #tpu.memory_space<vmem>>
        %dma_wait3A_103 = arith.constant 0 : i32
        %dma_wait3A_104 = arith.constant 0 : i32
        %dma_wait3A_105 = tpu.memref_slice %arg9[%dma_wait3A_103, %dma_wait3A_104] : memref<10240x128xf32, #tpu.memory_space<vmem_shared>> -> memref<10240x128xf32, #tpu.memory_space<vmem_shared>>
        tpu.wait_indirect_dma semaphore(%run_scoped3A_93 : memref<!tpu.dma_semaphore, #tpu.memory_space<semaphore_mem>>) src(%arg8 : memref<128x128xf32, #tpu.memory_space<vmem>>) dst(%dma_wait3A_105 : memref<10240x128xf32, #tpu.memory_space<vmem_shared>>)
        tpu.yield
      }) : () -> ()
    }
    %scan3A_61 = arith.constant 20 : i32
    %barrier3A_62 = arith.constant 0 : index
    tpu.barrier barrier_id(%barrier3A_62)
    %mul3A_63 = arith.constant 640 : i32
    %mul3A_64 = arith.muli %arg1, %mul3A_63 : i32
    %mul3A_65 = arith.constant 640 : i32
    %mul3A_66 = arith.muli %arg1, %mul3A_65 : i32
    "tpu.region"() ({
      %run_scoped3A_67 = tpu.sem_alloc : memref<!tpu.dma_semaphore, #tpu.memory_space<semaphore_mem>>
      %dma_start3A_68 = arith.constant 0 : i32
      %dma_start3A_69 = tpu.memref_slice %arg4[%arg0, %mul3A_66, %dma_start3A_68] : memref<2x10240x128xf32, #tpu.memory_space<hbm>> -> memref<1x640x128xf32, #tpu.memory_space<hbm>>
      %dma_start3A_70 = tpu.memref_squeeze %dma_start3A_69 : memref<1x640x128xf32, #tpu.memory_space<hbm>> -> memref<640x128xf32, #tpu.memory_space<hbm>>
      %dma_start3A_71 = arith.constant 0 : i32
      %dma_start3A_72 = tpu.memref_slice %arg9[%mul3A_64, %dma_start3A_71] : memref<10240x128xf32, #tpu.memory_space<vmem_shared>> -> memref<640x128xf32, #tpu.memory_space<vmem_shared>>
      tpu.enqueue_dma source(%dma_start3A_72 : memref<640x128xf32, #tpu.memory_space<vmem_shared>>) target(%dma_start3A_70 : memref<640x128xf32, #tpu.memory_space<hbm>>) target_semaphore(%run_scoped3A_67 : memref<!tpu.dma_semaphore, #tpu.memory_space<semaphore_mem>>)
      %dma_wait3A = arith.constant 0 : i32
      %dma_wait3A_73 = tpu.memref_slice %arg4[%arg0, %mul3A_66, %dma_wait3A] : memref<2x10240x128xf32, #tpu.memory_space<hbm>> -> memref<1x640x128xf32, #tpu.memory_space<hbm>>
      %dma_wait3A_74 = tpu.memref_squeeze %dma_wait3A_73 : memref<1x640x128xf32, #tpu.memory_space<hbm>> -> memref<640x128xf32, #tpu.memory_space<hbm>>
      %dma_wait3A_75 = arith.constant 0 : i32
      %dma_wait3A_76 = tpu.memref_slice %arg9[%mul3A_64, %dma_wait3A_75] : memref<10240x128xf32, #tpu.memory_space<vmem_shared>> -> memref<640x128xf32, #tpu.memory_space<vmem_shared>>
      tpu.wait_dma2 semaphore(%run_scoped3A_67 : memref<!tpu.dma_semaphore, #tpu.memory_space<semaphore_mem>>) src(%dma_wait3A_76 : memref<640x128xf32, #tpu.memory_space<vmem_shared>>) dst(%dma_wait3A_74 : memref<640x128xf32, #tpu.memory_space<hbm>>)
      tpu.yield
    }) : () -> ()
    return
  }
}

#map = affine_map<(d0, d1) -> (0, 0, 0)>
#map1 = affine_map<(d0, d1) -> (0, 0)>
module attributes {stable_mosaic.version = 14 : i64} {
  func.func @_edge_kernel(%arg0: i32, %arg1: i32, %arg2: memref<2x2560x128xi32, #tpu.memory_space<hbm>>, %arg3: memref<10240x128xf32, #tpu.memory_space<hbm>>, %arg4: memref<2x10240x128xf32, #tpu.memory_space<hbm>>, %arg5: memref<40x128xi32, #tpu.memory_space<vmem>>, %arg6: memref<40x128xi32, #tpu.memory_space<vmem>>, %arg7: memref<128x128xf32, #tpu.memory_space<vmem>>, %arg8: memref<128x128xf32, #tpu.memory_space<vmem>>, %arg9: memref<10240x128xf32, #tpu.memory_space<vmem_shared>>, %arg10: memref<!tpu.dma_semaphore, #tpu.memory_space<semaphore_mem>>, %arg11: memref<!tpu.dma_semaphore, #tpu.memory_space<semaphore_mem>>) attributes {dimension_semantics = [#tpu.dimension_semantics<core_parallel>, #tpu.dimension_semantics<subcore_parallel>], iteration_bounds = array<i64: 2, 16>, scalar_prefetch = 0 : i64, scratch_operands = 7 : i64, tpu.core_type = #tpu.core_type<sc_vector_subcore>, window_params = [{transform_indices = #map}, {transform_indices = #map1}, {transform_indices = #map}]} {
    %mul3A = arith.constant 16 : i32
    %mul3A_0 = arith.muli %arg0, %mul3A : i32
    %add3A = arith.addi %mul3A_0, %arg1 : i32
    %scan3A = arith.constant 0 : i32
    %scan3A_1 = arith.constant 0 : i32
    %scan3A_2 = arith.constant 128 : i32
    %scan3A_3 = arith.addi %scan3A_1, %scan3A_2 : i32
    %scan3A_4 = arith.constant 1 : i32
    scf.for %scan3A_67 = %scan3A_1 to %scan3A_3 step %scan3A_4  : i32 {
      %scan3A_68 = arith.constant 0 : i32
      %scan3A_69 = arith.constant 0 : i32
      %scan3A_70 = arith.constant 8 : i32
      %scan3A_71 = arith.addi %scan3A_69, %scan3A_70 : i32
      %scan3A_72 = arith.constant 1 : i32
      scf.for %scan3A_74 = %scan3A_69 to %scan3A_71 step %scan3A_72  : i32 {
        %broadcast_in_dim3A = arith.constant 0.000000e+00 : f32
        %broadcast_in_dim3A_75 = vector.broadcast %broadcast_in_dim3A : f32 to vector<16xf32>
        %mul3A_76 = arith.constant 16 : i32
        %mul3A_77 = arith.muli %scan3A_74, %mul3A_76 : i32
        %swap3A = arith.index_cast %scan3A_67 : i32 to index
        %swap3A_78 = arith.index_cast %mul3A_77 : i32 to index
        %swap3A_79 = tpu.vector_load %arg7[%swap3A, %swap3A_78] {strides = array<i32>} : memref<128x128xf32, #tpu.memory_space<vmem>>, vector<1x16xf32>,
        %swap3A_80 = vector.shape_cast %swap3A_79 : vector<1x16xf32> to vector<16xf32>
        %swap3A_81 = vector.shape_cast %broadcast_in_dim3A_75 : vector<16xf32> to vector<1x16xf32>
        tpu.vector_store %arg7[%swap3A, %swap3A_78], %swap3A_81 {strides = array<i32>} : memref<128x128xf32, #tpu.memory_space<vmem>>, vector<1x16xf32>,
      }
      %scan3A_73 = arith.constant 8 : i32
    }
    %scan3A_5 = arith.constant 128 : i32
    %mul3A_6 = arith.constant 640 : i32
    %mul3A_7 = arith.muli %arg1, %mul3A_6 : i32
    %add3A_8 = arith.constant 0 : i32
    %add3A_9 = arith.addi %mul3A_7, %add3A_8 : i32
    "tpu.region"() ({
      %run_scoped3A_67 = tpu.sem_alloc : memref<!tpu.dma_semaphore, #tpu.memory_space<semaphore_mem>>
      %dma_start3A_68 = arith.constant 0 : i32
      %dma_start3A_69 = tpu.memref_slice %arg9[%add3A_9, %dma_start3A_68] : memref<10240x128xf32, #tpu.memory_space<vmem_shared>> -> memref<128x128xf32, #tpu.memory_space<vmem_shared>>
      %dma_start3A_70 = arith.constant 0 : i32
      %dma_start3A_71 = tpu.memref_slice %arg9[%add3A_9, %dma_start3A_70] : memref<10240x128xf32, #tpu.memory_space<vmem_shared>> -> memref<128x128xf32, #tpu.memory_space<vmem_shared>>
      tpu.enqueue_dma source(%arg7 : memref<128x128xf32, #tpu.memory_space<vmem>>) target(%dma_start3A_71 : memref<128x128xf32, #tpu.memory_space<vmem_shared>>) target_semaphore(%run_scoped3A_67 : memref<!tpu.dma_semaphore, #tpu.memory_space<semaphore_mem>>)
      %dma_wait3A = arith.constant 0 : i32
      %dma_wait3A_72 = tpu.memref_slice %arg9[%add3A_9, %dma_wait3A] : memref<10240x128xf32, #tpu.memory_space<vmem_shared>> -> memref<128x128xf32, #tpu.memory_space<vmem_shared>>
      %dma_wait3A_73 = arith.constant 0 : i32
      %dma_wait3A_74 = tpu.memref_slice %arg9[%add3A_9, %dma_wait3A_73] : memref<10240x128xf32, #tpu.memory_space<vmem_shared>> -> memref<128x128xf32, #tpu.memory_space<vmem_shared>>
      tpu.wait_dma2 semaphore(%run_scoped3A_67 : memref<!tpu.dma_semaphore, #tpu.memory_space<semaphore_mem>>) src(%arg7 : memref<128x128xf32, #tpu.memory_space<vmem>>) dst(%dma_wait3A_74 : memref<128x128xf32, #tpu.memory_space<vmem_shared>>)
      tpu.yield
    }) : () -> ()
    %mul3A_10 = arith.constant 640 : i32
    %mul3A_11 = arith.muli %arg1, %mul3A_10 : i32
    %add3A_12 = arith.constant 128 : i32
    %add3A_13 = arith.addi %mul3A_11, %add3A_12 : i32
    "tpu.region"() ({
      %run_scoped3A_67 = tpu.sem_alloc : memref<!tpu.dma_semaphore, #tpu.memory_space<semaphore_mem>>
      %dma_start3A_68 = arith.constant 0 : i32
      %dma_start3A_69 = tpu.memref_slice %arg9[%add3A_13, %dma_start3A_68] : memref<10240x128xf32, #tpu.memory_space<vmem_shared>> -> memref<128x128xf32, #tpu.memory_space<vmem_shared>>
      %dma_start3A_70 = arith.constant 0 : i32
      %dma_start3A_71 = tpu.memref_slice %arg9[%add3A_13, %dma_start3A_70] : memref<10240x128xf32, #tpu.memory_space<vmem_shared>> -> memref<128x128xf32, #tpu.memory_space<vmem_shared>>
      tpu.enqueue_dma source(%arg7 : memref<128x128xf32, #tpu.memory_space<vmem>>) target(%dma_start3A_71 : memref<128x128xf32, #tpu.memory_space<vmem_shared>>) target_semaphore(%run_scoped3A_67 : memref<!tpu.dma_semaphore, #tpu.memory_space<semaphore_mem>>)
      %dma_wait3A = arith.constant 0 : i32
      %dma_wait3A_72 = tpu.memref_slice %arg9[%add3A_13, %dma_wait3A] : memref<10240x128xf32, #tpu.memory_space<vmem_shared>> -> memref<128x128xf32, #tpu.memory_space<vmem_shared>>
      %dma_wait3A_73 = arith.constant 0 : i32
      %dma_wait3A_74 = tpu.memref_slice %arg9[%add3A_13, %dma_wait3A_73] : memref<10240x128xf32, #tpu.memory_space<vmem_shared>> -> memref<128x128xf32, #tpu.memory_space<vmem_shared>>
      tpu.wait_dma2 semaphore(%run_scoped3A_67 : memref<!tpu.dma_semaphore, #tpu.memory_space<semaphore_mem>>) src(%arg7 : memref<128x128xf32, #tpu.memory_space<vmem>>) dst(%dma_wait3A_74 : memref<128x128xf32, #tpu.memory_space<vmem_shared>>)
      tpu.yield
    }) : () -> ()
    %mul3A_14 = arith.constant 640 : i32
    %mul3A_15 = arith.muli %arg1, %mul3A_14 : i32
    %add3A_16 = arith.constant 256 : i32
    %add3A_17 = arith.addi %mul3A_15, %add3A_16 : i32
    "tpu.region"() ({
      %run_scoped3A_67 = tpu.sem_alloc : memref<!tpu.dma_semaphore, #tpu.memory_space<semaphore_mem>>
      %dma_start3A_68 = arith.constant 0 : i32
      %dma_start3A_69 = tpu.memref_slice %arg9[%add3A_17, %dma_start3A_68] : memref<10240x128xf32, #tpu.memory_space<vmem_shared>> -> memref<128x128xf32, #tpu.memory_space<vmem_shared>>
      %dma_start3A_70 = arith.constant 0 : i32
      %dma_start3A_71 = tpu.memref_slice %arg9[%add3A_17, %dma_start3A_70] : memref<10240x128xf32, #tpu.memory_space<vmem_shared>> -> memref<128x128xf32, #tpu.memory_space<vmem_shared>>
      tpu.enqueue_dma source(%arg7 : memref<128x128xf32, #tpu.memory_space<vmem>>) target(%dma_start3A_71 : memref<128x128xf32, #tpu.memory_space<vmem_shared>>) target_semaphore(%run_scoped3A_67 : memref<!tpu.dma_semaphore, #tpu.memory_space<semaphore_mem>>)
      %dma_wait3A = arith.constant 0 : i32
      %dma_wait3A_72 = tpu.memref_slice %arg9[%add3A_17, %dma_wait3A] : memref<10240x128xf32, #tpu.memory_space<vmem_shared>> -> memref<128x128xf32, #tpu.memory_space<vmem_shared>>
      %dma_wait3A_73 = arith.constant 0 : i32
      %dma_wait3A_74 = tpu.memref_slice %arg9[%add3A_17, %dma_wait3A_73] : memref<10240x128xf32, #tpu.memory_space<vmem_shared>> -> memref<128x128xf32, #tpu.memory_space<vmem_shared>>
      tpu.wait_dma2 semaphore(%run_scoped3A_67 : memref<!tpu.dma_semaphore, #tpu.memory_space<semaphore_mem>>) src(%arg7 : memref<128x128xf32, #tpu.memory_space<vmem>>) dst(%dma_wait3A_74 : memref<128x128xf32, #tpu.memory_space<vmem_shared>>)
      tpu.yield
    }) : () -> ()
    %mul3A_18 = arith.constant 640 : i32
    %mul3A_19 = arith.muli %arg1, %mul3A_18 : i32
    %add3A_20 = arith.constant 384 : i32
    %add3A_21 = arith.addi %mul3A_19, %add3A_20 : i32
    "tpu.region"() ({
      %run_scoped3A_67 = tpu.sem_alloc : memref<!tpu.dma_semaphore, #tpu.memory_space<semaphore_mem>>
      %dma_start3A_68 = arith.constant 0 : i32
      %dma_start3A_69 = tpu.memref_slice %arg9[%add3A_21, %dma_start3A_68] : memref<10240x128xf32, #tpu.memory_space<vmem_shared>> -> memref<128x128xf32, #tpu.memory_space<vmem_shared>>
      %dma_start3A_70 = arith.constant 0 : i32
      %dma_start3A_71 = tpu.memref_slice %arg9[%add3A_21, %dma_start3A_70] : memref<10240x128xf32, #tpu.memory_space<vmem_shared>> -> memref<128x128xf32, #tpu.memory_space<vmem_shared>>
      tpu.enqueue_dma source(%arg7 : memref<128x128xf32, #tpu.memory_space<vmem>>) target(%dma_start3A_71 : memref<128x128xf32, #tpu.memory_space<vmem_shared>>) target_semaphore(%run_scoped3A_67 : memref<!tpu.dma_semaphore, #tpu.memory_space<semaphore_mem>>)
      %dma_wait3A = arith.constant 0 : i32
      %dma_wait3A_72 = tpu.memref_slice %arg9[%add3A_21, %dma_wait3A] : memref<10240x128xf32, #tpu.memory_space<vmem_shared>> -> memref<128x128xf32, #tpu.memory_space<vmem_shared>>
      %dma_wait3A_73 = arith.constant 0 : i32
      %dma_wait3A_74 = tpu.memref_slice %arg9[%add3A_21, %dma_wait3A_73] : memref<10240x128xf32, #tpu.memory_space<vmem_shared>> -> memref<128x128xf32, #tpu.memory_space<vmem_shared>>
      tpu.wait_dma2 semaphore(%run_scoped3A_67 : memref<!tpu.dma_semaphore, #tpu.memory_space<semaphore_mem>>) src(%arg7 : memref<128x128xf32, #tpu.memory_space<vmem>>) dst(%dma_wait3A_74 : memref<128x128xf32, #tpu.memory_space<vmem_shared>>)
      tpu.yield
    }) : () -> ()
    %mul3A_22 = arith.constant 640 : i32
    %mul3A_23 = arith.muli %arg1, %mul3A_22 : i32
    %add3A_24 = arith.constant 512 : i32
    %add3A_25 = arith.addi %mul3A_23, %add3A_24 : i32
    "tpu.region"() ({
      %run_scoped3A_67 = tpu.sem_alloc : memref<!tpu.dma_semaphore, #tpu.memory_space<semaphore_mem>>
      %dma_start3A_68 = arith.constant 0 : i32
      %dma_start3A_69 = tpu.memref_slice %arg9[%add3A_25, %dma_start3A_68] : memref<10240x128xf32, #tpu.memory_space<vmem_shared>> -> memref<128x128xf32, #tpu.memory_space<vmem_shared>>
      %dma_start3A_70 = arith.constant 0 : i32
      %dma_start3A_71 = tpu.memref_slice %arg9[%add3A_25, %dma_start3A_70] : memref<10240x128xf32, #tpu.memory_space<vmem_shared>> -> memref<128x128xf32, #tpu.memory_space<vmem_shared>>
      tpu.enqueue_dma source(%arg7 : memref<128x128xf32, #tpu.memory_space<vmem>>) target(%dma_start3A_71 : memref<128x128xf32, #tpu.memory_space<vmem_shared>>) target_semaphore(%run_scoped3A_67 : memref<!tpu.dma_semaphore, #tpu.memory_space<semaphore_mem>>)
      %dma_wait3A = arith.constant 0 : i32
      %dma_wait3A_72 = tpu.memref_slice %arg9[%add3A_25, %dma_wait3A] : memref<10240x128xf32, #tpu.memory_space<vmem_shared>> -> memref<128x128xf32, #tpu.memory_space<vmem_shared>>
      %dma_wait3A_73 = arith.constant 0 : i32
      %dma_wait3A_74 = tpu.memref_slice %arg9[%add3A_25, %dma_wait3A_73] : memref<10240x128xf32, #tpu.memory_space<vmem_shared>> -> memref<128x128xf32, #tpu.memory_space<vmem_shared>>
      tpu.wait_dma2 semaphore(%run_scoped3A_67 : memref<!tpu.dma_semaphore, #tpu.memory_space<semaphore_mem>>) src(%arg7 : memref<128x128xf32, #tpu.memory_space<vmem>>) dst(%dma_wait3A_74 : memref<128x128xf32, #tpu.memory_space<vmem_shared>>)
      tpu.yield
    }) : () -> ()
    %barrier3A = arith.constant 0 : index
    tpu.barrier barrier_id(%barrier3A)
    %mul3A_26 = arith.constant 80 : i32
    %mul3A_27 = arith.muli %add3A, %mul3A_26 : i32
    %add3A_28 = arith.constant 0 : i32
    %add3A_29 = arith.addi %mul3A_27, %add3A_28 : i32
    %run_scoped3A = arith.constant 0 : i32
    "tpu.region"() ({
      %run_scoped3A_67 = tpu.sem_alloc : memref<!tpu.dma_semaphore, #tpu.memory_space<semaphore_mem>>
      %dma_start3A_68 = arith.constant 0 : i32
      %dma_start3A_69 = tpu.memref_slice %arg2[%run_scoped3A, %add3A_29, %dma_start3A_68] : memref<2x2560x128xi32, #tpu.memory_space<hbm>> -> memref<1x40x128xi32, #tpu.memory_space<hbm>>
      %dma_start3A_70 = tpu.memref_squeeze %dma_start3A_69 : memref<1x40x128xi32, #tpu.memory_space<hbm>> -> memref<40x128xi32, #tpu.memory_space<hbm>>
      %dma_start3A_71 = arith.constant 0 : i32
      %dma_start3A_72 = tpu.memref_slice %arg2[%run_scoped3A, %add3A_29, %dma_start3A_71] : memref<2x2560x128xi32, #tpu.memory_space<hbm>> -> memref<1x40x128xi32, #tpu.memory_space<hbm>>
      %dma_start3A_73 = tpu.memref_squeeze %dma_start3A_72 : memref<1x40x128xi32, #tpu.memory_space<hbm>> -> memref<40x128xi32, #tpu.memory_space<hbm>>
      tpu.enqueue_dma source(%dma_start3A_73 : memref<40x128xi32, #tpu.memory_space<hbm>>) target(%arg5 : memref<40x128xi32, #tpu.memory_space<vmem>>) target_semaphore(%run_scoped3A_67 : memref<!tpu.dma_semaphore, #tpu.memory_space<semaphore_mem>>)
      %dma_wait3A = arith.constant 0 : i32
      %dma_wait3A_74 = tpu.memref_slice %arg2[%run_scoped3A, %add3A_29, %dma_wait3A] : memref<2x2560x128xi32, #tpu.memory_space<hbm>> -> memref<1x40x128xi32, #tpu.memory_space<hbm>>
      %dma_wait3A_75 = tpu.memref_squeeze %dma_wait3A_74 : memref<1x40x128xi32, #tpu.memory_space<hbm>> -> memref<40x128xi32, #tpu.memory_space<hbm>>
      %dma_wait3A_76 = arith.constant 0 : i32
      %dma_wait3A_77 = tpu.memref_slice %arg2[%run_scoped3A, %add3A_29, %dma_wait3A_76] : memref<2x2560x128xi32, #tpu.memory_space<hbm>> -> memref<1x40x128xi32, #tpu.memory_space<hbm>>
      %dma_wait3A_78 = tpu.memref_squeeze %dma_wait3A_77 : memref<1x40x128xi32, #tpu.memory_space<hbm>> -> memref<40x128xi32, #tpu.memory_space<hbm>>
      tpu.wait_dma2 semaphore(%run_scoped3A_67 : memref<!tpu.dma_semaphore, #tpu.memory_space<semaphore_mem>>) src(%dma_wait3A_78 : memref<40x128xi32, #tpu.memory_space<hbm>>) dst(%arg5 : memref<40x128xi32, #tpu.memory_space<vmem>>)
      tpu.yield
    }) : () -> ()
    %run_scoped3A_30 = arith.constant 1 : i32
    "tpu.region"() ({
      %run_scoped3A_67 = tpu.sem_alloc : memref<!tpu.dma_semaphore, #tpu.memory_space<semaphore_mem>>
      %dma_start3A_68 = arith.constant 0 : i32
      %dma_start3A_69 = tpu.memref_slice %arg2[%run_scoped3A_30, %add3A_29, %dma_start3A_68] : memref<2x2560x128xi32, #tpu.memory_space<hbm>> -> memref<1x40x128xi32, #tpu.memory_space<hbm>>
      %dma_start3A_70 = tpu.memref_squeeze %dma_start3A_69 : memref<1x40x128xi32, #tpu.memory_space<hbm>> -> memref<40x128xi32, #tpu.memory_space<hbm>>
      %dma_start3A_71 = arith.constant 0 : i32
      %dma_start3A_72 = tpu.memref_slice %arg2[%run_scoped3A_30, %add3A_29, %dma_start3A_71] : memref<2x2560x128xi32, #tpu.memory_space<hbm>> -> memref<1x40x128xi32, #tpu.memory_space<hbm>>
      %dma_start3A_73 = tpu.memref_squeeze %dma_start3A_72 : memref<1x40x128xi32, #tpu.memory_space<hbm>> -> memref<40x128xi32, #tpu.memory_space<hbm>>
      tpu.enqueue_dma source(%dma_start3A_73 : memref<40x128xi32, #tpu.memory_space<hbm>>) target(%arg6 : memref<40x128xi32, #tpu.memory_space<vmem>>) target_semaphore(%run_scoped3A_67 : memref<!tpu.dma_semaphore, #tpu.memory_space<semaphore_mem>>)
      %dma_wait3A = arith.constant 0 : i32
      %dma_wait3A_74 = tpu.memref_slice %arg2[%run_scoped3A_30, %add3A_29, %dma_wait3A] : memref<2x2560x128xi32, #tpu.memory_space<hbm>> -> memref<1x40x128xi32, #tpu.memory_space<hbm>>
      %dma_wait3A_75 = tpu.memref_squeeze %dma_wait3A_74 : memref<1x40x128xi32, #tpu.memory_space<hbm>> -> memref<40x128xi32, #tpu.memory_space<hbm>>
      %dma_wait3A_76 = arith.constant 0 : i32
      %dma_wait3A_77 = tpu.memref_slice %arg2[%run_scoped3A_30, %add3A_29, %dma_wait3A_76] : memref<2x2560x128xi32, #tpu.memory_space<hbm>> -> memref<1x40x128xi32, #tpu.memory_space<hbm>>
      %dma_wait3A_78 = tpu.memref_squeeze %dma_wait3A_77 : memref<1x40x128xi32, #tpu.memory_space<hbm>> -> memref<40x128xi32, #tpu.memory_space<hbm>>
      tpu.wait_dma2 semaphore(%run_scoped3A_67 : memref<!tpu.dma_semaphore, #tpu.memory_space<semaphore_mem>>) src(%dma_wait3A_78 : memref<40x128xi32, #tpu.memory_space<hbm>>) dst(%arg6 : memref<40x128xi32, #tpu.memory_space<vmem>>)
      tpu.yield
    }) : () -> ()
    %dma_start3A = arith.constant 0 : i32
    %dma_start3A_31 = arith.constant 0 : i32
    %dma_start3A_32 = tpu.memref_slice %arg5[%dma_start3A, %dma_start3A_31] : memref<40x128xi32, #tpu.memory_space<vmem>> -> memref<1x128xi32, #tpu.memory_space<vmem>>
    %dma_start3A_33 = tpu.memref_squeeze %dma_start3A_32 : memref<1x128xi32, #tpu.memory_space<vmem>> -> memref<128xi32, #tpu.memory_space<vmem>>
    %dma_start3A_34 = arith.constant 0 : i32
    %dma_start3A_35 = arith.constant 0 : i32
    %dma_start3A_36 = tpu.memref_slice %arg3[%dma_start3A_34, %dma_start3A_35] : memref<10240x128xf32, #tpu.memory_space<hbm>> -> memref<10240x128xf32, #tpu.memory_space<hbm>>
    tpu.enqueue_indirect_dma source(%dma_start3A_36 : memref<10240x128xf32, #tpu.memory_space<hbm>>) target(%arg7 : memref<128x128xf32, #tpu.memory_space<vmem>>) offsets(%dma_start3A_33 : memref<128xi32, #tpu.memory_space<vmem>>) semaphore(%arg10 : memref<!tpu.dma_semaphore, #tpu.memory_space<semaphore_mem>>)
    %scan3A_37 = arith.constant 0 : i32
    %scan3A_38 = arith.constant 0 : i32
    %scan3A_39 = arith.constant 20 : i32
    %scan3A_40 = arith.addi %scan3A_38, %scan3A_39 : i32
    %scan3A_41 = arith.constant 1 : i32
    scf.for %scan3A_67 = %scan3A_38 to %scan3A_40 step %scan3A_41  : i32 {
      %mul3A_68 = arith.constant 2 : i32
      %mul3A_69 = arith.muli %mul3A_68, %scan3A_67 : i32
      %add3A_70 = arith.constant 1 : i32
      %add3A_71 = arith.addi %mul3A_69, %add3A_70 : i32
      %add3A_72 = arith.constant 2 : i32
      %add3A_73 = arith.addi %mul3A_69, %add3A_72 : i32
      %dma_start3A_74 = arith.constant 0 : i32
      %dma_start3A_75 = tpu.memref_slice %arg5[%add3A_71, %dma_start3A_74] : memref<40x128xi32, #tpu.memory_space<vmem>> -> memref<1x128xi32, #tpu.memory_space<vmem>>
      %dma_start3A_76 = tpu.memref_squeeze %dma_start3A_75 : memref<1x128xi32, #tpu.memory_space<vmem>> -> memref<128xi32, #tpu.memory_space<vmem>>
      %dma_start3A_77 = arith.constant 0 : i32
      %dma_start3A_78 = arith.constant 0 : i32
      %dma_start3A_79 = tpu.memref_slice %arg3[%dma_start3A_77, %dma_start3A_78] : memref<10240x128xf32, #tpu.memory_space<hbm>> -> memref<10240x128xf32, #tpu.memory_space<hbm>>
      tpu.enqueue_indirect_dma source(%dma_start3A_79 : memref<10240x128xf32, #tpu.memory_space<hbm>>) target(%arg8 : memref<128x128xf32, #tpu.memory_space<vmem>>) offsets(%dma_start3A_76 : memref<128xi32, #tpu.memory_space<vmem>>) semaphore(%arg11 : memref<!tpu.dma_semaphore, #tpu.memory_space<semaphore_mem>>)
      %dma_wait3A = arith.constant 0 : i32
      %dma_wait3A_80 = tpu.memref_slice %arg5[%mul3A_69, %dma_wait3A] : memref<40x128xi32, #tpu.memory_space<vmem>> -> memref<1x128xi32, #tpu.memory_space<vmem>>
      %dma_wait3A_81 = tpu.memref_squeeze %dma_wait3A_80 : memref<1x128xi32, #tpu.memory_space<vmem>> -> memref<128xi32, #tpu.memory_space<vmem>>
      %dma_wait3A_82 = arith.constant 0 : i32
      %dma_wait3A_83 = arith.constant 0 : i32
      %dma_wait3A_84 = tpu.memref_slice %arg3[%dma_wait3A_82, %dma_wait3A_83] : memref<10240x128xf32, #tpu.memory_space<hbm>> -> memref<10240x128xf32, #tpu.memory_space<hbm>>
      tpu.wait_indirect_dma semaphore(%arg10 : memref<!tpu.dma_semaphore, #tpu.memory_space<semaphore_mem>>) src(%dma_wait3A_84 : memref<10240x128xf32, #tpu.memory_space<hbm>>) dst(%arg7 : memref<128x128xf32, #tpu.memory_space<vmem>>)
      "tpu.region"() ({
        %run_scoped3A_93 = tpu.sem_alloc : memref<!tpu.dma_semaphore, #tpu.memory_space<semaphore_mem>>
        %dma_start3A_94 = arith.constant 0 : i32
        %dma_start3A_95 = tpu.memref_slice %arg6[%mul3A_69, %dma_start3A_94] : memref<40x128xi32, #tpu.memory_space<vmem>> -> memref<1x128xi32, #tpu.memory_space<vmem>>
        %dma_start3A_96 = tpu.memref_squeeze %dma_start3A_95 : memref<1x128xi32, #tpu.memory_space<vmem>> -> memref<128xi32, #tpu.memory_space<vmem>>
        %dma_start3A_97 = arith.constant 0 : i32
        %dma_start3A_98 = arith.constant 0 : i32
        %dma_start3A_99 = tpu.memref_slice %arg9[%dma_start3A_97, %dma_start3A_98] : memref<10240x128xf32, #tpu.memory_space<vmem_shared>> -> memref<10240x128xf32, #tpu.memory_space<vmem_shared>>
        tpu.enqueue_indirect_dma source(%arg7 : memref<128x128xf32, #tpu.memory_space<vmem>>) target(%dma_start3A_99 : memref<10240x128xf32, #tpu.memory_space<vmem_shared>>) offsets(%dma_start3A_96 : memref<128xi32, #tpu.memory_space<vmem>>) semaphore(%run_scoped3A_93 : memref<!tpu.dma_semaphore, #tpu.memory_space<semaphore_mem>>) {add = true}
        %dma_wait3A_100 = arith.constant 0 : i32
        %dma_wait3A_101 = tpu.memref_slice %arg6[%mul3A_69, %dma_wait3A_100] : memref<40x128xi32, #tpu.memory_space<vmem>> -> memref<1x128xi32, #tpu.memory_space<vmem>>
        %dma_wait3A_102 = tpu.memref_squeeze %dma_wait3A_101 : memref<1x128xi32, #tpu.memory_space<vmem>> -> memref<128xi32, #tpu.memory_space<vmem>>
        %dma_wait3A_103 = arith.constant 0 : i32
        %dma_wait3A_104 = arith.constant 0 : i32
        %dma_wait3A_105 = tpu.memref_slice %arg9[%dma_wait3A_103, %dma_wait3A_104] : memref<10240x128xf32, #tpu.memory_space<vmem_shared>> -> memref<10240x128xf32, #tpu.memory_space<vmem_shared>>
        tpu.wait_indirect_dma semaphore(%run_scoped3A_93 : memref<!tpu.dma_semaphore, #tpu.memory_space<semaphore_mem>>) src(%arg7 : memref<128x128xf32, #tpu.memory_space<vmem>>) dst(%dma_wait3A_105 : memref<10240x128xf32, #tpu.memory_space<vmem_shared>>)
        tpu.yield
      }) : () -> ()
      %lt3A = arith.constant 40 : i32
      %lt3A_85 = arith.cmpi slt, %add3A_73, %lt3A : i32
      %convert_element_type3A = arith.extui %lt3A_85 : i1 to i32
      %cond3A = arith.constant 0 : i32
      %cond3A_86 = arith.cmpi ne, %convert_element_type3A, %cond3A : i32
      scf.if %cond3A_86 {
        %dma_start3A_93 = arith.constant 0 : i32
        %dma_start3A_94 = tpu.memref_slice %arg5[%add3A_73, %dma_start3A_93] : memref<40x128xi32, #tpu.memory_space<vmem>> -> memref<1x128xi32, #tpu.memory_space<vmem>>
        %dma_start3A_95 = tpu.memref_squeeze %dma_start3A_94 : memref<1x128xi32, #tpu.memory_space<vmem>> -> memref<128xi32, #tpu.memory_space<vmem>>
        %dma_start3A_96 = arith.constant 0 : i32
        %dma_start3A_97 = arith.constant 0 : i32
        %dma_start3A_98 = tpu.memref_slice %arg3[%dma_start3A_96, %dma_start3A_97] : memref<10240x128xf32, #tpu.memory_space<hbm>> -> memref<10240x128xf32, #tpu.memory_space<hbm>>
        tpu.enqueue_indirect_dma source(%dma_start3A_98 : memref<10240x128xf32, #tpu.memory_space<hbm>>) target(%arg7 : memref<128x128xf32, #tpu.memory_space<vmem>>) offsets(%dma_start3A_95 : memref<128xi32, #tpu.memory_space<vmem>>) semaphore(%arg10 : memref<!tpu.dma_semaphore, #tpu.memory_space<semaphore_mem>>)
      } else {
      }
      %dma_wait3A_87 = arith.constant 0 : i32
      %dma_wait3A_88 = tpu.memref_slice %arg5[%add3A_71, %dma_wait3A_87] : memref<40x128xi32, #tpu.memory_space<vmem>> -> memref<1x128xi32, #tpu.memory_space<vmem>>
      %dma_wait3A_89 = tpu.memref_squeeze %dma_wait3A_88 : memref<1x128xi32, #tpu.memory_space<vmem>> -> memref<128xi32, #tpu.memory_space<vmem>>
      %dma_wait3A_90 = arith.constant 0 : i32
      %dma_wait3A_91 = arith.constant 0 : i32
      %dma_wait3A_92 = tpu.memref_slice %arg3[%dma_wait3A_90, %dma_wait3A_91] : memref<10240x128xf32, #tpu.memory_space<hbm>> -> memref<10240x128xf32, #tpu.memory_space<hbm>>
      tpu.wait_indirect_dma semaphore(%arg11 : memref<!tpu.dma_semaphore, #tpu.memory_space<semaphore_mem>>) src(%dma_wait3A_92 : memref<10240x128xf32, #tpu.memory_space<hbm>>) dst(%arg8 : memref<128x128xf32, #tpu.memory_space<vmem>>)
      "tpu.region"() ({
        %run_scoped3A_93 = tpu.sem_alloc : memref<!tpu.dma_semaphore, #tpu.memory_space<semaphore_mem>>
        %dma_start3A_94 = arith.constant 0 : i32
        %dma_start3A_95 = tpu.memref_slice %arg6[%add3A_71, %dma_start3A_94] : memref<40x128xi32, #tpu.memory_space<vmem>> -> memref<1x128xi32, #tpu.memory_space<vmem>>
        %dma_start3A_96 = tpu.memref_squeeze %dma_start3A_95 : memref<1x128xi32, #tpu.memory_space<vmem>> -> memref<128xi32, #tpu.memory_space<vmem>>
        %dma_start3A_97 = arith.constant 0 : i32
        %dma_start3A_98 = arith.constant 0 : i32
        %dma_start3A_99 = tpu.memref_slice %arg9[%dma_start3A_97, %dma_start3A_98] : memref<10240x128xf32, #tpu.memory_space<vmem_shared>> -> memref<10240x128xf32, #tpu.memory_space<vmem_shared>>
        tpu.enqueue_indirect_dma source(%arg8 : memref<128x128xf32, #tpu.memory_space<vmem>>) target(%dma_start3A_99 : memref<10240x128xf32, #tpu.memory_space<vmem_shared>>) offsets(%dma_start3A_96 : memref<128xi32, #tpu.memory_space<vmem>>) semaphore(%run_scoped3A_93 : memref<!tpu.dma_semaphore, #tpu.memory_space<semaphore_mem>>) {add = true}
        %dma_wait3A_100 = arith.constant 0 : i32
        %dma_wait3A_101 = tpu.memref_slice %arg6[%add3A_71, %dma_wait3A_100] : memref<40x128xi32, #tpu.memory_space<vmem>> -> memref<1x128xi32, #tpu.memory_space<vmem>>
        %dma_wait3A_102 = tpu.memref_squeeze %dma_wait3A_101 : memref<1x128xi32, #tpu.memory_space<vmem>> -> memref<128xi32, #tpu.memory_space<vmem>>
        %dma_wait3A_103 = arith.constant 0 : i32
        %dma_wait3A_104 = arith.constant 0 : i32
        %dma_wait3A_105 = tpu.memref_slice %arg9[%dma_wait3A_103, %dma_wait3A_104] : memref<10240x128xf32, #tpu.memory_space<vmem_shared>> -> memref<10240x128xf32, #tpu.memory_space<vmem_shared>>
        tpu.wait_indirect_dma semaphore(%run_scoped3A_93 : memref<!tpu.dma_semaphore, #tpu.memory_space<semaphore_mem>>) src(%arg8 : memref<128x128xf32, #tpu.memory_space<vmem>>) dst(%dma_wait3A_105 : memref<10240x128xf32, #tpu.memory_space<vmem_shared>>)
        tpu.yield
      }) : () -> ()
    }
    %scan3A_42 = arith.constant 20 : i32
    %mul3A_43 = arith.constant 80 : i32
    %mul3A_44 = arith.muli %add3A, %mul3A_43 : i32
    %add3A_45 = arith.constant 40 : i32
    %add3A_46 = arith.addi %mul3A_44, %add3A_45 : i32
    %run_scoped3A_47 = arith.constant 0 : i32
    "tpu.region"() ({
      %run_scoped3A_67 = tpu.sem_alloc : memref<!tpu.dma_semaphore, #tpu.memory_space<semaphore_mem>>
      %dma_start3A_68 = arith.constant 0 : i32
      %dma_start3A_69 = tpu.memref_slice %arg2[%run_scoped3A_47, %add3A_46, %dma_start3A_68] : memref<2x2560x128xi32, #tpu.memory_space<hbm>> -> memref<1x40x128xi32, #tpu.memory_space<hbm>>
      %dma_start3A_70 = tpu.memref_squeeze %dma_start3A_69 : memref<1x40x128xi32, #tpu.memory_space<hbm>> -> memref<40x128xi32, #tpu.memory_space<hbm>>
      %dma_start3A_71 = arith.constant 0 : i32
      %dma_start3A_72 = tpu.memref_slice %arg2[%run_scoped3A_47, %add3A_46, %dma_start3A_71] : memref<2x2560x128xi32, #tpu.memory_space<hbm>> -> memref<1x40x128xi32, #tpu.memory_space<hbm>>
      %dma_start3A_73 = tpu.memref_squeeze %dma_start3A_72 : memref<1x40x128xi32, #tpu.memory_space<hbm>> -> memref<40x128xi32, #tpu.memory_space<hbm>>
      tpu.enqueue_dma source(%dma_start3A_73 : memref<40x128xi32, #tpu.memory_space<hbm>>) target(%arg5 : memref<40x128xi32, #tpu.memory_space<vmem>>) target_semaphore(%run_scoped3A_67 : memref<!tpu.dma_semaphore, #tpu.memory_space<semaphore_mem>>)
      %dma_wait3A = arith.constant 0 : i32
      %dma_wait3A_74 = tpu.memref_slice %arg2[%run_scoped3A_47, %add3A_46, %dma_wait3A] : memref<2x2560x128xi32, #tpu.memory_space<hbm>> -> memref<1x40x128xi32, #tpu.memory_space<hbm>>
      %dma_wait3A_75 = tpu.memref_squeeze %dma_wait3A_74 : memref<1x40x128xi32, #tpu.memory_space<hbm>> -> memref<40x128xi32, #tpu.memory_space<hbm>>
      %dma_wait3A_76 = arith.constant 0 : i32
      %dma_wait3A_77 = tpu.memref_slice %arg2[%run_scoped3A_47, %add3A_46, %dma_wait3A_76] : memref<2x2560x128xi32, #tpu.memory_space<hbm>> -> memref<1x40x128xi32, #tpu.memory_space<hbm>>
      %dma_wait3A_78 = tpu.memref_squeeze %dma_wait3A_77 : memref<1x40x128xi32, #tpu.memory_space<hbm>> -> memref<40x128xi32, #tpu.memory_space<hbm>>
      tpu.wait_dma2 semaphore(%run_scoped3A_67 : memref<!tpu.dma_semaphore, #tpu.memory_space<semaphore_mem>>) src(%dma_wait3A_78 : memref<40x128xi32, #tpu.memory_space<hbm>>) dst(%arg5 : memref<40x128xi32, #tpu.memory_space<vmem>>)
      tpu.yield
    }) : () -> ()
    %run_scoped3A_48 = arith.constant 1 : i32
    "tpu.region"() ({
      %run_scoped3A_67 = tpu.sem_alloc : memref<!tpu.dma_semaphore, #tpu.memory_space<semaphore_mem>>
      %dma_start3A_68 = arith.constant 0 : i32
      %dma_start3A_69 = tpu.memref_slice %arg2[%run_scoped3A_48, %add3A_46, %dma_start3A_68] : memref<2x2560x128xi32, #tpu.memory_space<hbm>> -> memref<1x40x128xi32, #tpu.memory_space<hbm>>
      %dma_start3A_70 = tpu.memref_squeeze %dma_start3A_69 : memref<1x40x128xi32, #tpu.memory_space<hbm>> -> memref<40x128xi32, #tpu.memory_space<hbm>>
      %dma_start3A_71 = arith.constant 0 : i32
      %dma_start3A_72 = tpu.memref_slice %arg2[%run_scoped3A_48, %add3A_46, %dma_start3A_71] : memref<2x2560x128xi32, #tpu.memory_space<hbm>> -> memref<1x40x128xi32, #tpu.memory_space<hbm>>
      %dma_start3A_73 = tpu.memref_squeeze %dma_start3A_72 : memref<1x40x128xi32, #tpu.memory_space<hbm>> -> memref<40x128xi32, #tpu.memory_space<hbm>>
      tpu.enqueue_dma source(%dma_start3A_73 : memref<40x128xi32, #tpu.memory_space<hbm>>) target(%arg6 : memref<40x128xi32, #tpu.memory_space<vmem>>) target_semaphore(%run_scoped3A_67 : memref<!tpu.dma_semaphore, #tpu.memory_space<semaphore_mem>>)
      %dma_wait3A = arith.constant 0 : i32
      %dma_wait3A_74 = tpu.memref_slice %arg2[%run_scoped3A_48, %add3A_46, %dma_wait3A] : memref<2x2560x128xi32, #tpu.memory_space<hbm>> -> memref<1x40x128xi32, #tpu.memory_space<hbm>>
      %dma_wait3A_75 = tpu.memref_squeeze %dma_wait3A_74 : memref<1x40x128xi32, #tpu.memory_space<hbm>> -> memref<40x128xi32, #tpu.memory_space<hbm>>
      %dma_wait3A_76 = arith.constant 0 : i32
      %dma_wait3A_77 = tpu.memref_slice %arg2[%run_scoped3A_48, %add3A_46, %dma_wait3A_76] : memref<2x2560x128xi32, #tpu.memory_space<hbm>> -> memref<1x40x128xi32, #tpu.memory_space<hbm>>
      %dma_wait3A_78 = tpu.memref_squeeze %dma_wait3A_77 : memref<1x40x128xi32, #tpu.memory_space<hbm>> -> memref<40x128xi32, #tpu.memory_space<hbm>>
      tpu.wait_dma2 semaphore(%run_scoped3A_67 : memref<!tpu.dma_semaphore, #tpu.memory_space<semaphore_mem>>) src(%dma_wait3A_78 : memref<40x128xi32, #tpu.memory_space<hbm>>) dst(%arg6 : memref<40x128xi32, #tpu.memory_space<vmem>>)
      tpu.yield
    }) : () -> ()
    %dma_start3A_49 = arith.constant 0 : i32
    %dma_start3A_50 = arith.constant 0 : i32
    %dma_start3A_51 = tpu.memref_slice %arg5[%dma_start3A_49, %dma_start3A_50] : memref<40x128xi32, #tpu.memory_space<vmem>> -> memref<1x128xi32, #tpu.memory_space<vmem>>
    %dma_start3A_52 = tpu.memref_squeeze %dma_start3A_51 : memref<1x128xi32, #tpu.memory_space<vmem>> -> memref<128xi32, #tpu.memory_space<vmem>>
    %dma_start3A_53 = arith.constant 0 : i32
    %dma_start3A_54 = arith.constant 0 : i32
    %dma_start3A_55 = tpu.memref_slice %arg3[%dma_start3A_53, %dma_start3A_54] : memref<10240x128xf32, #tpu.memory_space<hbm>> -> memref<10240x128xf32, #tpu.memory_space<hbm>>
    tpu.enqueue_indirect_dma source(%dma_start3A_55 : memref<10240x128xf32, #tpu.memory_space<hbm>>) target(%arg7 : memref<128x128xf32, #tpu.memory_space<vmem>>) offsets(%dma_start3A_52 : memref<128xi32, #tpu.memory_space<vmem>>) semaphore(%arg10 : memref<!tpu.dma_semaphore, #tpu.memory_space<semaphore_mem>>)
    %scan3A_56 = arith.constant 0 : i32
    %scan3A_57 = arith.constant 0 : i32
    %scan3A_58 = arith.constant 20 : i32
    %scan3A_59 = arith.addi %scan3A_57, %scan3A_58 : i32
    %scan3A_60 = arith.constant 1 : i32
    scf.for %scan3A_67 = %scan3A_57 to %scan3A_59 step %scan3A_60  : i32 {
      %mul3A_68 = arith.constant 2 : i32
      %mul3A_69 = arith.muli %mul3A_68, %scan3A_67 : i32
      %add3A_70 = arith.constant 1 : i32
      %add3A_71 = arith.addi %mul3A_69, %add3A_70 : i32
      %add3A_72 = arith.constant 2 : i32
      %add3A_73 = arith.addi %mul3A_69, %add3A_72 : i32
      %dma_start3A_74 = arith.constant 0 : i32
      %dma_start3A_75 = tpu.memref_slice %arg5[%add3A_71, %dma_start3A_74] : memref<40x128xi32, #tpu.memory_space<vmem>> -> memref<1x128xi32, #tpu.memory_space<vmem>>
      %dma_start3A_76 = tpu.memref_squeeze %dma_start3A_75 : memref<1x128xi32, #tpu.memory_space<vmem>> -> memref<128xi32, #tpu.memory_space<vmem>>
      %dma_start3A_77 = arith.constant 0 : i32
      %dma_start3A_78 = arith.constant 0 : i32
      %dma_start3A_79 = tpu.memref_slice %arg3[%dma_start3A_77, %dma_start3A_78] : memref<10240x128xf32, #tpu.memory_space<hbm>> -> memref<10240x128xf32, #tpu.memory_space<hbm>>
      tpu.enqueue_indirect_dma source(%dma_start3A_79 : memref<10240x128xf32, #tpu.memory_space<hbm>>) target(%arg8 : memref<128x128xf32, #tpu.memory_space<vmem>>) offsets(%dma_start3A_76 : memref<128xi32, #tpu.memory_space<vmem>>) semaphore(%arg11 : memref<!tpu.dma_semaphore, #tpu.memory_space<semaphore_mem>>)
      %dma_wait3A = arith.constant 0 : i32
      %dma_wait3A_80 = tpu.memref_slice %arg5[%mul3A_69, %dma_wait3A] : memref<40x128xi32, #tpu.memory_space<vmem>> -> memref<1x128xi32, #tpu.memory_space<vmem>>
      %dma_wait3A_81 = tpu.memref_squeeze %dma_wait3A_80 : memref<1x128xi32, #tpu.memory_space<vmem>> -> memref<128xi32, #tpu.memory_space<vmem>>
      %dma_wait3A_82 = arith.constant 0 : i32
      %dma_wait3A_83 = arith.constant 0 : i32
      %dma_wait3A_84 = tpu.memref_slice %arg3[%dma_wait3A_82, %dma_wait3A_83] : memref<10240x128xf32, #tpu.memory_space<hbm>> -> memref<10240x128xf32, #tpu.memory_space<hbm>>
      tpu.wait_indirect_dma semaphore(%arg10 : memref<!tpu.dma_semaphore, #tpu.memory_space<semaphore_mem>>) src(%dma_wait3A_84 : memref<10240x128xf32, #tpu.memory_space<hbm>>) dst(%arg7 : memref<128x128xf32, #tpu.memory_space<vmem>>)
      "tpu.region"() ({
        %run_scoped3A_93 = tpu.sem_alloc : memref<!tpu.dma_semaphore, #tpu.memory_space<semaphore_mem>>
        %dma_start3A_94 = arith.constant 0 : i32
        %dma_start3A_95 = tpu.memref_slice %arg6[%mul3A_69, %dma_start3A_94] : memref<40x128xi32, #tpu.memory_space<vmem>> -> memref<1x128xi32, #tpu.memory_space<vmem>>
        %dma_start3A_96 = tpu.memref_squeeze %dma_start3A_95 : memref<1x128xi32, #tpu.memory_space<vmem>> -> memref<128xi32, #tpu.memory_space<vmem>>
        %dma_start3A_97 = arith.constant 0 : i32
        %dma_start3A_98 = arith.constant 0 : i32
        %dma_start3A_99 = tpu.memref_slice %arg9[%dma_start3A_97, %dma_start3A_98] : memref<10240x128xf32, #tpu.memory_space<vmem_shared>> -> memref<10240x128xf32, #tpu.memory_space<vmem_shared>>
        tpu.enqueue_indirect_dma source(%arg7 : memref<128x128xf32, #tpu.memory_space<vmem>>) target(%dma_start3A_99 : memref<10240x128xf32, #tpu.memory_space<vmem_shared>>) offsets(%dma_start3A_96 : memref<128xi32, #tpu.memory_space<vmem>>) semaphore(%run_scoped3A_93 : memref<!tpu.dma_semaphore, #tpu.memory_space<semaphore_mem>>) {add = true}
        %dma_wait3A_100 = arith.constant 0 : i32
        %dma_wait3A_101 = tpu.memref_slice %arg6[%mul3A_69, %dma_wait3A_100] : memref<40x128xi32, #tpu.memory_space<vmem>> -> memref<1x128xi32, #tpu.memory_space<vmem>>
        %dma_wait3A_102 = tpu.memref_squeeze %dma_wait3A_101 : memref<1x128xi32, #tpu.memory_space<vmem>> -> memref<128xi32, #tpu.memory_space<vmem>>
        %dma_wait3A_103 = arith.constant 0 : i32
        %dma_wait3A_104 = arith.constant 0 : i32
        %dma_wait3A_105 = tpu.memref_slice %arg9[%dma_wait3A_103, %dma_wait3A_104] : memref<10240x128xf32, #tpu.memory_space<vmem_shared>> -> memref<10240x128xf32, #tpu.memory_space<vmem_shared>>
        tpu.wait_indirect_dma semaphore(%run_scoped3A_93 : memref<!tpu.dma_semaphore, #tpu.memory_space<semaphore_mem>>) src(%arg7 : memref<128x128xf32, #tpu.memory_space<vmem>>) dst(%dma_wait3A_105 : memref<10240x128xf32, #tpu.memory_space<vmem_shared>>)
        tpu.yield
      }) : () -> ()
      %lt3A = arith.constant 40 : i32
      %lt3A_85 = arith.cmpi slt, %add3A_73, %lt3A : i32
      %convert_element_type3A = arith.extui %lt3A_85 : i1 to i32
      %cond3A = arith.constant 0 : i32
      %cond3A_86 = arith.cmpi ne, %convert_element_type3A, %cond3A : i32
      scf.if %cond3A_86 {
        %dma_start3A_93 = arith.constant 0 : i32
        %dma_start3A_94 = tpu.memref_slice %arg5[%add3A_73, %dma_start3A_93] : memref<40x128xi32, #tpu.memory_space<vmem>> -> memref<1x128xi32, #tpu.memory_space<vmem>>
        %dma_start3A_95 = tpu.memref_squeeze %dma_start3A_94 : memref<1x128xi32, #tpu.memory_space<vmem>> -> memref<128xi32, #tpu.memory_space<vmem>>
        %dma_start3A_96 = arith.constant 0 : i32
        %dma_start3A_97 = arith.constant 0 : i32
        %dma_start3A_98 = tpu.memref_slice %arg3[%dma_start3A_96, %dma_start3A_97] : memref<10240x128xf32, #tpu.memory_space<hbm>> -> memref<10240x128xf32, #tpu.memory_space<hbm>>
        tpu.enqueue_indirect_dma source(%dma_start3A_98 : memref<10240x128xf32, #tpu.memory_space<hbm>>) target(%arg7 : memref<128x128xf32, #tpu.memory_space<vmem>>) offsets(%dma_start3A_95 : memref<128xi32, #tpu.memory_space<vmem>>) semaphore(%arg10 : memref<!tpu.dma_semaphore, #tpu.memory_space<semaphore_mem>>)
      } else {
      }
      %dma_wait3A_87 = arith.constant 0 : i32
      %dma_wait3A_88 = tpu.memref_slice %arg5[%add3A_71, %dma_wait3A_87] : memref<40x128xi32, #tpu.memory_space<vmem>> -> memref<1x128xi32, #tpu.memory_space<vmem>>
      %dma_wait3A_89 = tpu.memref_squeeze %dma_wait3A_88 : memref<1x128xi32, #tpu.memory_space<vmem>> -> memref<128xi32, #tpu.memory_space<vmem>>
      %dma_wait3A_90 = arith.constant 0 : i32
      %dma_wait3A_91 = arith.constant 0 : i32
      %dma_wait3A_92 = tpu.memref_slice %arg3[%dma_wait3A_90, %dma_wait3A_91] : memref<10240x128xf32, #tpu.memory_space<hbm>> -> memref<10240x128xf32, #tpu.memory_space<hbm>>
      tpu.wait_indirect_dma semaphore(%arg11 : memref<!tpu.dma_semaphore, #tpu.memory_space<semaphore_mem>>) src(%dma_wait3A_92 : memref<10240x128xf32, #tpu.memory_space<hbm>>) dst(%arg8 : memref<128x128xf32, #tpu.memory_space<vmem>>)
      "tpu.region"() ({
        %run_scoped3A_93 = tpu.sem_alloc : memref<!tpu.dma_semaphore, #tpu.memory_space<semaphore_mem>>
        %dma_start3A_94 = arith.constant 0 : i32
        %dma_start3A_95 = tpu.memref_slice %arg6[%add3A_71, %dma_start3A_94] : memref<40x128xi32, #tpu.memory_space<vmem>> -> memref<1x128xi32, #tpu.memory_space<vmem>>
        %dma_start3A_96 = tpu.memref_squeeze %dma_start3A_95 : memref<1x128xi32, #tpu.memory_space<vmem>> -> memref<128xi32, #tpu.memory_space<vmem>>
        %dma_start3A_97 = arith.constant 0 : i32
        %dma_start3A_98 = arith.constant 0 : i32
        %dma_start3A_99 = tpu.memref_slice %arg9[%dma_start3A_97, %dma_start3A_98] : memref<10240x128xf32, #tpu.memory_space<vmem_shared>> -> memref<10240x128xf32, #tpu.memory_space<vmem_shared>>
        tpu.enqueue_indirect_dma source(%arg8 : memref<128x128xf32, #tpu.memory_space<vmem>>) target(%dma_start3A_99 : memref<10240x128xf32, #tpu.memory_space<vmem_shared>>) offsets(%dma_start3A_96 : memref<128xi32, #tpu.memory_space<vmem>>) semaphore(%run_scoped3A_93 : memref<!tpu.dma_semaphore, #tpu.memory_space<semaphore_mem>>) {add = true}
        %dma_wait3A_100 = arith.constant 0 : i32
        %dma_wait3A_101 = tpu.memref_slice %arg6[%add3A_71, %dma_wait3A_100] : memref<40x128xi32, #tpu.memory_space<vmem>> -> memref<1x128xi32, #tpu.memory_space<vmem>>
        %dma_wait3A_102 = tpu.memref_squeeze %dma_wait3A_101 : memref<1x128xi32, #tpu.memory_space<vmem>> -> memref<128xi32, #tpu.memory_space<vmem>>
        %dma_wait3A_103 = arith.constant 0 : i32
        %dma_wait3A_104 = arith.constant 0 : i32
        %dma_wait3A_105 = tpu.memref_slice %arg9[%dma_wait3A_103, %dma_wait3A_104] : memref<10240x128xf32, #tpu.memory_space<vmem_shared>> -> memref<10240x128xf32, #tpu.memory_space<vmem_shared>>
        tpu.wait_indirect_dma semaphore(%run_scoped3A_93 : memref<!tpu.dma_semaphore, #tpu.memory_space<semaphore_mem>>) src(%arg8 : memref<128x128xf32, #tpu.memory_space<vmem>>) dst(%dma_wait3A_105 : memref<10240x128xf32, #tpu.memory_space<vmem_shared>>)
        tpu.yield
      }) : () -> ()
    }
    %scan3A_61 = arith.constant 20 : i32
    %barrier3A_62 = arith.constant 0 : index
    tpu.barrier barrier_id(%barrier3A_62)
    %mul3A_63 = arith.constant 640 : i32
    %mul3A_64 = arith.muli %arg1, %mul3A_63 : i32
    %mul3A_65 = arith.constant 640 : i32
    %mul3A_66 = arith.muli %arg1, %mul3A_65 : i32
    "tpu.region"() ({
      %run_scoped3A_67 = tpu.sem_alloc : memref<!tpu.dma_semaphore, #tpu.memory_space<semaphore_mem>>
      %dma_start3A_68 = arith.constant 0 : i32
      %dma_start3A_69 = tpu.memref_slice %arg4[%arg0, %mul3A_66, %dma_start3A_68] : memref<2x10240x128xf32, #tpu.memory_space<hbm>> -> memref<1x640x128xf32, #tpu.memory_space<hbm>>
      %dma_start3A_70 = tpu.memref_squeeze %dma_start3A_69 : memref<1x640x128xf32, #tpu.memory_space<hbm>> -> memref<640x128xf32, #tpu.memory_space<hbm>>
      %dma_start3A_71 = arith.constant 0 : i32
      %dma_start3A_72 = tpu.memref_slice %arg9[%mul3A_64, %dma_start3A_71] : memref<10240x128xf32, #tpu.memory_space<vmem_shared>> -> memref<640x128xf32, #tpu.memory_space<vmem_shared>>
      tpu.enqueue_dma source(%dma_start3A_72 : memref<640x128xf32, #tpu.memory_space<vmem_shared>>) target(%dma_start3A_70 : memref<640x128xf32, #tpu.memory_space<hbm>>) target_semaphore(%run_scoped3A_67 : memref<!tpu.dma_semaphore, #tpu.memory_space<semaphore_mem>>)
      %dma_wait3A = arith.constant 0 : i32
      %dma_wait3A_73 = tpu.memref_slice %arg4[%arg0, %mul3A_66, %dma_wait3A] : memref<2x10240x128xf32, #tpu.memory_space<hbm>> -> memref<1x640x128xf32, #tpu.memory_space<hbm>>
      %dma_wait3A_74 = tpu.memref_squeeze %dma_wait3A_73 : memref<1x640x128xf32, #tpu.memory_space<hbm>> -> memref<640x128xf32, #tpu.memory_space<hbm>>
      %dma_wait3A_75 = arith.constant 0 : i32
      %dma_wait3A_76 = tpu.memref_slice %arg9[%mul3A_64, %dma_wait3A_75] : memref<10240x128xf32, #tpu.memory_space<vmem_shared>> -> memref<640x128xf32, #tpu.memory_space<vmem_shared>>
      tpu.wait_dma2 semaphore(%run_scoped3A_67 : memref<!tpu.dma_semaphore, #tpu.memory_space<semaphore_mem>>) src(%dma_wait3A_76 : memref<640x128xf32, #tpu.memory_space<vmem_shared>>) dst(%dma_wait3A_74 : memref<640x128xf32, #tpu.memory_space<hbm>>)
      tpu.yield
    }) : () -> ()
    return
  }
}

module attributes {stable_mosaic.version = 14 : i64} {
  func.func @_mm1_body(%arg0: i32, %arg1: memref<1024x128xf32, #tpu.memory_space<vmem>>, %arg2: memref<128x128xf32, #tpu.memory_space<vmem>>, %arg3: memref<32x1024xf32, #tpu.memory_space<vmem>>, %arg4: memref<1024x128xf32, #tpu.memory_space<vmem>>) attributes {dimension_semantics = [#tpu.dimension_semantics<arbitrary>], iteration_bounds = array<i64: 10>, scalar_prefetch = 0 : i64, scratch_operands = 0 : i64, tpu.core_type = #tpu.core_type<tc>, window_params = [{transform_indices = @transform_0, window_bounds = array<i64: 1024, 128>}, {pipeline_mode = #tpu.pipeline_mode<synchronous>, transform_indices = @transform_1, window_bounds = array<i64: 128, 128>}, {transform_indices = @transform_2, window_bounds = array<i64: 32, 1024>}, {transform_indices = @transform_3, window_bounds = array<i64: 1024, 128>}]} {
    %get3A = arith.constant 0 : index
    %get3A_0 = arith.constant 0 : index
    %get3A_1 = vector.load %arg3[%get3A, %get3A_0] : memref<32x1024xf32, #tpu.memory_space<vmem>>, vector<32x1024xf32>
    %reduce_sum3A = arith.constant dense<0.000000e+00> : vector<1024xf32>
    %reduce_sum3A_2 = vector.multi_reduction <add>, %get3A_1, %reduce_sum3A [0] : vector<32x1024xf32> to vector<1024xf32>
    %add3A = arith.constant 1.000000e+00 : f32
    %add3A_3 = vector.broadcast %add3A : f32 to vector<1024xf32>
    %add3A_4 = arith.addf %reduce_sum3A_2, %add3A_3 : vector<1024xf32>
    %rsqrt3A = math.rsqrt %add3A_4 : vector<1024xf32>
    %get3A_5 = arith.constant 0 : index
    %get3A_6 = arith.constant 0 : index
    %get3A_7 = vector.load %arg1[%get3A_5, %get3A_6] : memref<1024x128xf32, #tpu.memory_space<vmem>>, vector<1024x128xf32>
    %get3A_8 = arith.constant 0 : index
    %get3A_9 = arith.constant 0 : index
    %get3A_10 = vector.load %arg2[%get3A_8, %get3A_9] : memref<128x128xf32, #tpu.memory_space<vmem>>, vector<128x128xf32>
    %dot_general3A = arith.constant dense<0.000000e+00> : vector<1024x128xf32>
    %dot_general3A_11 = tpu.matmul %get3A_7, %get3A_10, %dot_general3A {dimension_numbers = #tpu.dot_dimension_numbers<[1], [0], [0], [1], [0, 0, 1, 1], [], []>, transpose_lhs_hint = false} : vector<1024x128xf32>, vector<128x128xf32>, vector<1024x128xf32> -> vector<1024x128xf32>
    %broadcast_in_dim3A = vector.shape_cast %rsqrt3A : vector<1024xf32> to vector<1024x1xf32>
    %mul3A = vector.broadcast %broadcast_in_dim3A : vector<1024x1xf32> to vector<1024x128xf32>
    %mul3A_12 = arith.mulf %dot_general3A_11, %mul3A : vector<1024x128xf32>
    %swap3A = arith.constant 0 : index
    %swap3A_13 = arith.constant 0 : index
    %swap3A_14 = vector.load %arg4[%swap3A, %swap3A_13] : memref<1024x128xf32, #tpu.memory_space<vmem>>, vector<1024x128xf32>
    tpu.vector_store %arg4[%swap3A, %swap3A_13], %mul3A_12 {strides = array<i32>} : memref<1024x128xf32, #tpu.memory_space<vmem>>, vector<1024x128xf32>,
    return
  }
  func.func @transform_0(%arg0: i32) -> (i32, i32) {
    %c0_i32 = arith.constant 0 : i32
    %c0_i32_0 = arith.constant 0 : i32
    return %arg0, %c0_i32 : i32, i32
  }
  func.func @transform_1(%arg0: i32) -> (i32, i32) {
    %c0_i32 = arith.constant 0 : i32
    %c0_i32_0 = arith.constant 0 : i32
    %c0_i32_1 = arith.constant 0 : i32
    return %c0_i32, %c0_i32_0 : i32, i32
  }
  func.func @transform_2(%arg0: i32) -> (i32, i32) {
    %c0_i32 = arith.constant 0 : i32
    %c0_i32_0 = arith.constant 0 : i32
    return %c0_i32, %arg0 : i32, i32
  }
  func.func @transform_3(%arg0: i32) -> (i32, i32) {
    %c0_i32 = arith.constant 0 : i32
    %c0_i32_0 = arith.constant 0 : i32
    return %arg0, %c0_i32 : i32, i32
  }
}

module attributes {stable_mosaic.version = 14 : i64} {
  func.func @_mm2_body(%arg0: i32, %arg1: memref<1x1024x128xf32, #tpu.memory_space<vmem>>, %arg2: memref<1x1024x128xf32, #tpu.memory_space<vmem>>, %arg3: memref<1024x128xf32, #tpu.memory_space<vmem>>, %arg4: memref<32x1024xf32, #tpu.memory_space<vmem>>, %arg5: memref<1x128xf32, #tpu.memory_space<vmem>>, %arg6: memref<128x128xf32, #tpu.memory_space<vmem>>, %arg7: memref<1024x128xf32, #tpu.memory_space<vmem>>) attributes {dimension_semantics = [#tpu.dimension_semantics<arbitrary>], iteration_bounds = array<i64: 10>, scalar_prefetch = 0 : i64, scratch_operands = 0 : i64, tpu.core_type = #tpu.core_type<tc>, window_params = [{transform_indices = @transform_0, window_bounds = array<i64: 1, 1024, 128>}, {transform_indices = @transform_1, window_bounds = array<i64: 1, 1024, 128>}, {transform_indices = @transform_2, window_bounds = array<i64: 1024, 128>}, {transform_indices = @transform_3, window_bounds = array<i64: 32, 1024>}, {pipeline_mode = #tpu.pipeline_mode<synchronous>, transform_indices = @transform_4, window_bounds = array<i64: 1, 128>}, {pipeline_mode = #tpu.pipeline_mode<synchronous>, transform_indices = @transform_5, window_bounds = array<i64: 128, 128>}, {transform_indices = @transform_6, window_bounds = array<i64: 1024, 128>}]} {
    %get3A = arith.constant 0 : index
    %get3A_0 = arith.constant 0 : index
    %get3A_1 = vector.load %arg4[%get3A, %get3A_0] : memref<32x1024xf32, #tpu.memory_space<vmem>>, vector<32x1024xf32>
    %reduce_sum3A = arith.constant dense<0.000000e+00> : vector<1024xf32>
    %reduce_sum3A_2 = vector.multi_reduction <add>, %get3A_1, %reduce_sum3A [0] : vector<32x1024xf32> to vector<1024xf32>
    %add3A = arith.constant 1.000000e+00 : f32
    %add3A_3 = vector.broadcast %add3A : f32 to vector<1024xf32>
    %add3A_4 = arith.addf %reduce_sum3A_2, %add3A_3 : vector<1024xf32>
    %rsqrt3A = math.rsqrt %add3A_4 : vector<1024xf32>
    %broadcast_in_dim3A = vector.shape_cast %rsqrt3A : vector<1024xf32> to vector<1024x1xf32>
    %get3A_5 = arith.constant 0 : index
    %get3A_6 = arith.constant 0 : index
    %get3A_7 = arith.constant 0 : index
    %get3A_8 = vector.load %arg1[%get3A_5, %get3A_6, %get3A_7] : memref<1x1024x128xf32, #tpu.memory_space<vmem>>, vector<1x1024x128xf32>
    %get3A_9 = vector.shape_cast %get3A_8 : vector<1x1024x128xf32> to vector<1024x128xf32>
    %get3A_10 = arith.constant 0 : index
    %get3A_11 = arith.constant 0 : index
    %get3A_12 = arith.constant 0 : index
    %get3A_13 = vector.load %arg2[%get3A_10, %get3A_11, %get3A_12] : memref<1x1024x128xf32, #tpu.memory_space<vmem>>, vector<1x1024x128xf32>
    %get3A_14 = vector.shape_cast %get3A_13 : vector<1x1024x128xf32> to vector<1024x128xf32>
    %add3A_15 = arith.addf %get3A_9, %get3A_14 : vector<1024x128xf32>
    %get3A_16 = arith.constant 0 : index
    %get3A_17 = arith.constant 0 : index
    %get3A_18 = vector.load %arg3[%get3A_16, %get3A_17] : memref<1024x128xf32, #tpu.memory_space<vmem>>, vector<1024x128xf32>
    %add3A_19 = arith.addf %add3A_15, %get3A_18 : vector<1024x128xf32>
    %mul3A = vector.broadcast %broadcast_in_dim3A : vector<1024x1xf32> to vector<1024x128xf32>
    %mul3A_20 = arith.mulf %mul3A, %add3A_19 : vector<1024x128xf32>
    %get3A_21 = arith.constant 0 : index
    %get3A_22 = arith.constant 0 : index
    %get3A_23 = vector.load %arg5[%get3A_21, %get3A_22] : memref<1x128xf32, #tpu.memory_space<vmem>>, vector<1x128xf32>
    %add3A_24 = vector.broadcast %get3A_23 : vector<1x128xf32> to vector<1024x128xf32>
    %add3A_25 = arith.addf %mul3A_20, %add3A_24 : vector<1024x128xf32>
    %max3A = arith.constant 0.000000e+00 : f32
    %max3A_26 = vector.broadcast %max3A : f32 to vector<1024x128xf32>
    %max3A_27 = arith.maximumf %add3A_25, %max3A_26 : vector<1024x128xf32>
    %get3A_28 = arith.constant 0 : index
    %get3A_29 = arith.constant 0 : index
    %get3A_30 = vector.load %arg6[%get3A_28, %get3A_29] : memref<128x128xf32, #tpu.memory_space<vmem>>, vector<128x128xf32>
    %dot_general3A = arith.constant dense<0.000000e+00> : vector<1024x128xf32>
    %dot_general3A_31 = tpu.matmul %max3A_27, %get3A_30, %dot_general3A {dimension_numbers = #tpu.dot_dimension_numbers<[1], [0], [0], [1], [0, 0, 1, 1], [], []>, transpose_lhs_hint = false} : vector<1024x128xf32>, vector<128x128xf32>, vector<1024x128xf32> -> vector<1024x128xf32>
    %broadcast_in_dim3A_32 = vector.shape_cast %rsqrt3A : vector<1024xf32> to vector<1024x1xf32>
    %mul3A_33 = vector.broadcast %broadcast_in_dim3A_32 : vector<1024x1xf32> to vector<1024x128xf32>
    %mul3A_34 = arith.mulf %dot_general3A_31, %mul3A_33 : vector<1024x128xf32>
    %swap3A = arith.constant 0 : index
    %swap3A_35 = arith.constant 0 : index
    %swap3A_36 = vector.load %arg7[%swap3A, %swap3A_35] : memref<1024x128xf32, #tpu.memory_space<vmem>>, vector<1024x128xf32>
    tpu.vector_store %arg7[%swap3A, %swap3A_35], %mul3A_34 {strides = array<i32>} : memref<1024x128xf32, #tpu.memory_space<vmem>>, vector<1024x128xf32>,
    return
  }
  func.func @transform_0(%arg0: i32) -> (i32, i32, i32) {
    %c0_i32 = arith.constant 0 : i32
    %c0_i32_0 = arith.constant 0 : i32
    %c0_i32_1 = arith.constant 0 : i32
    return %c0_i32, %arg0, %c0_i32_0 : i32, i32, i32
  }
  func.func @transform_1(%arg0: i32) -> (i32, i32, i32) {
    %c1_i32 = arith.constant 1 : i32
    %c0_i32 = arith.constant 0 : i32
    %c0_i32_0 = arith.constant 0 : i32
    return %c1_i32, %arg0, %c0_i32 : i32, i32, i32
  }
  func.func @transform_2(%arg0: i32) -> (i32, i32) {
    %c0_i32 = arith.constant 0 : i32
    %c0_i32_0 = arith.constant 0 : i32
    return %arg0, %c0_i32 : i32, i32
  }
  func.func @transform_3(%arg0: i32) -> (i32, i32) {
    %c0_i32 = arith.constant 0 : i32
    %c0_i32_0 = arith.constant 0 : i32
    return %c0_i32, %arg0 : i32, i32
  }
  func.func @transform_4(%arg0: i32) -> (i32, i32) {
    %c0_i32 = arith.constant 0 : i32
    %c0_i32_0 = arith.constant 0 : i32
    %c0_i32_1 = arith.constant 0 : i32
    return %c0_i32, %c0_i32_0 : i32, i32
  }
  func.func @transform_5(%arg0: i32) -> (i32, i32) {
    %c0_i32 = arith.constant 0 : i32
    %c0_i32_0 = arith.constant 0 : i32
    %c0_i32_1 = arith.constant 0 : i32
    return %c0_i32, %c0_i32_0 : i32, i32
  }
  func.func @transform_6(%arg0: i32) -> (i32, i32) {
    %c0_i32 = arith.constant 0 : i32
    %c0_i32_0 = arith.constant 0 : i32
    return %arg0, %c0_i32 : i32, i32
  }
}

module attributes {stable_mosaic.version = 14 : i64} {
  func.func @_final_body(%arg0: i32, %arg1: memref<1x1024x128xf32, #tpu.memory_space<vmem>>, %arg2: memref<1x1024x128xf32, #tpu.memory_space<vmem>>, %arg3: memref<1024x128xf32, #tpu.memory_space<vmem>>, %arg4: memref<32x1024xf32, #tpu.memory_space<vmem>>, %arg5: memref<1x128xf32, #tpu.memory_space<vmem>>, %arg6: memref<1024x1xi32, #tpu.memory_space<vmem>>, %arg7: memref<128x128xf32, #tpu.memory_space<vmem>>, %arg8: memref<1x128xf32, #tpu.memory_space<vmem>>, %arg9: memref<64x10xf32, #tpu.memory_space<vmem>>, %arg10: memref<64x128xf32, #tpu.memory_space<vmem>>, %arg11: memref<64x128xf32, #tpu.memory_space<vmem>>) attributes {dimension_semantics = [#tpu.dimension_semantics<arbitrary>], iteration_bounds = array<i64: 10>, scalar_prefetch = 0 : i64, scratch_operands = 2 : i64, tpu.core_type = #tpu.core_type<tc>, window_params = [{transform_indices = @transform_0, window_bounds = array<i64: 1, 1024, 128>}, {transform_indices = @transform_1, window_bounds = array<i64: 1, 1024, 128>}, {transform_indices = @transform_2, window_bounds = array<i64: 1024, 128>}, {transform_indices = @transform_3, window_bounds = array<i64: 32, 1024>}, {pipeline_mode = #tpu.pipeline_mode<synchronous>, transform_indices = @transform_4, window_bounds = array<i64: 1, 128>}, {transform_indices = @transform_5, window_bounds = array<i64: 1024, 1>}, {pipeline_mode = #tpu.pipeline_mode<synchronous>, transform_indices = @transform_6, window_bounds = array<i64: 128, 128>}, {pipeline_mode = #tpu.pipeline_mode<synchronous>, transform_indices = @transform_7, window_bounds = array<i64: 1, 128>}, {pipeline_mode = #tpu.pipeline_mode<synchronous>, transform_indices = @transform_8, window_bounds = array<i64: 64, 10>}]} {
    %eq3A = arith.constant 0 : i32
    %eq3A_0 = arith.cmpi eq, %arg0, %eq3A : i32
    %convert_element_type3A = arith.extui %eq3A_0 : i1 to i32
    %cond3A = arith.constant 0 : i32
    %cond3A_1 = arith.cmpi ne, %convert_element_type3A, %cond3A : i32
    scf.if %cond3A_1 {
      %broadcast_in_dim3A_61 = arith.constant 0.000000e+00 : f32
      %broadcast_in_dim3A_62 = vector.broadcast %broadcast_in_dim3A_61 : f32 to vector<64x128xf32>
      %swap3A_63 = arith.constant 0 : index
      %swap3A_64 = arith.constant 0 : index
      %swap3A_65 = vector.load %arg10[%swap3A_63, %swap3A_64] : memref<64x128xf32, #tpu.memory_space<vmem>>, vector<64x128xf32>
      tpu.vector_store %arg10[%swap3A_63, %swap3A_64], %broadcast_in_dim3A_62 {strides = array<i32>} : memref<64x128xf32, #tpu.memory_space<vmem>>, vector<64x128xf32>,
      %broadcast_in_dim3A_66 = arith.constant 0.000000e+00 : f32
      %broadcast_in_dim3A_67 = vector.broadcast %broadcast_in_dim3A_66 : f32 to vector<64x128xf32>
      %swap3A_68 = arith.constant 0 : index
      %swap3A_69 = arith.constant 0 : index
      %swap3A_70 = vector.load %arg11[%swap3A_68, %swap3A_69] : memref<64x128xf32, #tpu.memory_space<vmem>>, vector<64x128xf32>
      tpu.vector_store %arg11[%swap3A_68, %swap3A_69], %broadcast_in_dim3A_67 {strides = array<i32>} : memref<64x128xf32, #tpu.memory_space<vmem>>, vector<64x128xf32>,
    } else {
    }
    %get3A = arith.constant 0 : index
    %get3A_2 = arith.constant 0 : index
    %get3A_3 = vector.load %arg4[%get3A, %get3A_2] : memref<32x1024xf32, #tpu.memory_space<vmem>>, vector<32x1024xf32>
    %reduce_sum3A = arith.constant dense<0.000000e+00> : vector<1024xf32>
    %reduce_sum3A_4 = vector.multi_reduction <add>, %get3A_3, %reduce_sum3A [0] : vector<32x1024xf32> to vector<1024xf32>
    %add3A = arith.constant 1.000000e+00 : f32
    %add3A_5 = vector.broadcast %add3A : f32 to vector<1024xf32>
    %add3A_6 = arith.addf %reduce_sum3A_4, %add3A_5 : vector<1024xf32>
    %rsqrt3A = math.rsqrt %add3A_6 : vector<1024xf32>
    %broadcast_in_dim3A = vector.shape_cast %rsqrt3A : vector<1024xf32> to vector<1024x1xf32>
    %get3A_7 = arith.constant 0 : index
    %get3A_8 = arith.constant 0 : index
    %get3A_9 = arith.constant 0 : index
    %get3A_10 = vector.load %arg1[%get3A_7, %get3A_8, %get3A_9] : memref<1x1024x128xf32, #tpu.memory_space<vmem>>, vector<1x1024x128xf32>
    %get3A_11 = vector.shape_cast %get3A_10 : vector<1x1024x128xf32> to vector<1024x128xf32>
    %get3A_12 = arith.constant 0 : index
    %get3A_13 = arith.constant 0 : index
    %get3A_14 = arith.constant 0 : index
    %get3A_15 = vector.load %arg2[%get3A_12, %get3A_13, %get3A_14] : memref<1x1024x128xf32, #tpu.memory_space<vmem>>, vector<1x1024x128xf32>
    %get3A_16 = vector.shape_cast %get3A_15 : vector<1x1024x128xf32> to vector<1024x128xf32>
    %add3A_17 = arith.addf %get3A_11, %get3A_16 : vector<1024x128xf32>
    %get3A_18 = arith.constant 0 : index
    %get3A_19 = arith.constant 0 : index
    %get3A_20 = vector.load %arg3[%get3A_18, %get3A_19] : memref<1024x128xf32, #tpu.memory_space<vmem>>, vector<1024x128xf32>
    %add3A_21 = arith.addf %add3A_17, %get3A_20 : vector<1024x128xf32>
    %mul3A = vector.broadcast %broadcast_in_dim3A : vector<1024x1xf32> to vector<1024x128xf32>
    %mul3A_22 = arith.mulf %mul3A, %add3A_21 : vector<1024x128xf32>
    %get3A_23 = arith.constant 0 : index
    %get3A_24 = arith.constant 0 : index
    %get3A_25 = vector.load %arg5[%get3A_23, %get3A_24] : memref<1x128xf32, #tpu.memory_space<vmem>>, vector<1x128xf32>
    %add3A_26 = vector.broadcast %get3A_25 : vector<1x128xf32> to vector<1024x128xf32>
    %add3A_27 = arith.addf %mul3A_22, %add3A_26 : vector<1024x128xf32>
    %max3A = arith.constant 0.000000e+00 : f32
    %max3A_28 = vector.broadcast %max3A : f32 to vector<1024x128xf32>
    %max3A_29 = arith.maximumf %add3A_27, %max3A_28 : vector<1024x128xf32>
    %get3A_30 = arith.constant 0 : index
    %get3A_31 = arith.constant 0 : index
    %get3A_32 = vector.load %arg6[%get3A_30, %get3A_31] : memref<1024x1xi32, #tpu.memory_space<vmem>>, vector<1024x1xi32>
    %iota3A = tpu.iota {dimensions = array<i32: 1>} : vector<1x64xi32>
    %eq3A_33 = vector.broadcast %get3A_32 : vector<1024x1xi32> to vector<1024x64xi32>
    %eq3A_34 = vector.broadcast %iota3A : vector<1x64xi32> to vector<1024x64xi32>
    %eq3A_35 = arith.cmpi eq, %eq3A_33, %eq3A_34 : vector<1024x64xi32>
    %convert_element_type3A_36 = arith.extui %eq3A_35 : vector<1024x64xi1> to vector<1024x64xi32>
    %convert_element_type3A_37 = arith.sitofp %convert_element_type3A_36 : vector<1024x64xi32> to vector<1024x64xf32>
    %get3A_38 = arith.constant 0 : index
    %get3A_39 = arith.constant 0 : index
    %get3A_40 = vector.load %arg10[%get3A_38, %get3A_39] : memref<64x128xf32, #tpu.memory_space<vmem>>, vector<64x128xf32>
    %dot_general3A = arith.constant dense<0.000000e+00> : vector<64x128xf32>
    %dot_general3A_41 = tpu.matmul %convert_element_type3A_37, %max3A_29, %dot_general3A {dimension_numbers = #tpu.dot_dimension_numbers<[0], [0], [1], [1], [0, 1, 1, 1], [], []>, transpose_lhs_hint = false} : vector<1024x64xf32>, vector<1024x128xf32>, vector<64x128xf32> -> vector<64x128xf32>
    %add3A_42 = arith.addf %get3A_40, %dot_general3A_41 : vector<64x128xf32>
    %swap3A = arith.constant 0 : index
    %swap3A_43 = arith.constant 0 : index
    %swap3A_44 = vector.load %arg10[%swap3A, %swap3A_43] : memref<64x128xf32, #tpu.memory_space<vmem>>, vector<64x128xf32>
    tpu.vector_store %arg10[%swap3A, %swap3A_43], %add3A_42 {strides = array<i32>} : memref<64x128xf32, #tpu.memory_space<vmem>>, vector<64x128xf32>,
    %get3A_45 = arith.constant 0 : index
    %get3A_46 = arith.constant 0 : index
    %get3A_47 = vector.load %arg11[%get3A_45, %get3A_46] : memref<64x128xf32, #tpu.memory_space<vmem>>, vector<64x128xf32>
    %broadcast_in_dim3A_48 = arith.constant 1.000000e+00 : f32
    %broadcast_in_dim3A_49 = vector.broadcast %broadcast_in_dim3A_48 : f32 to vector<1024x128xf32>
    %dot_general3A_50 = arith.constant dense<0.000000e+00> : vector<64x128xf32>
    %dot_general3A_51 = tpu.matmul %convert_element_type3A_37, %broadcast_in_dim3A_49, %dot_general3A_50 {dimension_numbers = #tpu.dot_dimension_numbers<[0], [0], [1], [1], [0, 1, 1, 1], [], []>, transpose_lhs_hint = false} : vector<1024x64xf32>, vector<1024x128xf32>, vector<64x128xf32> -> vector<64x128xf32>
    %add3A_52 = arith.addf %get3A_47, %dot_general3A_51 : vector<64x128xf32>
    %swap3A_53 = arith.constant 0 : index
    %swap3A_54 = arith.constant 0 : index
    %swap3A_55 = vector.load %arg11[%swap3A_53, %swap3A_54] : memref<64x128xf32, #tpu.memory_space<vmem>>, vector<64x128xf32>
    tpu.vector_store %arg11[%swap3A_53, %swap3A_54], %add3A_52 {strides = array<i32>} : memref<64x128xf32, #tpu.memory_space<vmem>>, vector<64x128xf32>,
    %eq3A_56 = arith.constant 9 : i32
    %eq3A_57 = arith.cmpi eq, %arg0, %eq3A_56 : i32
    %convert_element_type3A_58 = arith.extui %eq3A_57 : i1 to i32
    %cond3A_59 = arith.constant 0 : i32
    %cond3A_60 = arith.cmpi ne, %convert_element_type3A_58, %cond3A_59 : i32
    scf.if %cond3A_60 {
      %get3A_61 = arith.constant 0 : index
      %get3A_62 = arith.constant 0 : index
      %get3A_63 = vector.load %arg10[%get3A_61, %get3A_62] : memref<64x128xf32, #tpu.memory_space<vmem>>, vector<64x128xf32>
      %get3A_64 = arith.constant 0 : index
      %get3A_65 = arith.constant 0 : index
      %get3A_66 = vector.load %arg11[%get3A_64, %get3A_65] : memref<64x128xf32, #tpu.memory_space<vmem>>, vector<64x128xf32>
      %max3A_67 = arith.constant 1.000000e+00 : f32
      %max3A_68 = vector.broadcast %max3A_67 : f32 to vector<64x128xf32>
      %max3A_69 = arith.maximumf %get3A_66, %max3A_68 : vector<64x128xf32>
      %div3A = arith.divf %get3A_63, %max3A_69 : vector<64x128xf32>
      %get3A_70 = arith.constant 0 : index
      %get3A_71 = arith.constant 0 : index
      %get3A_72 = vector.load %arg7[%get3A_70, %get3A_71] : memref<128x128xf32, #tpu.memory_space<vmem>>, vector<128x128xf32>
      %dot_general3A_73 = arith.constant dense<0.000000e+00> : vector<64x128xf32>
      %dot_general3A_74 = tpu.matmul %div3A, %get3A_72, %dot_general3A_73 {dimension_numbers = #tpu.dot_dimension_numbers<[1], [0], [0], [1], [0, 0, 1, 1], [], []>, transpose_lhs_hint = false} : vector<64x128xf32>, vector<128x128xf32>, vector<64x128xf32> -> vector<64x128xf32>
      %get3A_75 = arith.constant 0 : index
      %get3A_76 = arith.constant 0 : index
      %get3A_77 = vector.load %arg8[%get3A_75, %get3A_76] : memref<1x128xf32, #tpu.memory_space<vmem>>, vector<1x128xf32>
      %add3A_78 = vector.broadcast %get3A_77 : vector<1x128xf32> to vector<64x128xf32>
      %add3A_79 = arith.addf %dot_general3A_74, %add3A_78 : vector<64x128xf32>
      %slice3A = vector.extract_strided_slice %add3A_79 {offsets = [0, 0], sizes = [64, 10], strides = [1, 1]} : vector<64x128xf32> to vector<64x10xf32>
      %swap3A_80 = arith.constant 0 : index
      %swap3A_81 = arith.constant 0 : index
      %swap3A_82 = vector.load %arg9[%swap3A_80, %swap3A_81] : memref<64x10xf32, #tpu.memory_space<vmem>>, vector<64x10xf32>
      tpu.vector_store %arg9[%swap3A_80, %swap3A_81], %slice3A {strides = array<i32>} : memref<64x10xf32, #tpu.memory_space<vmem>>, vector<64x10xf32>,
    } else {
    }
    return
  }
  func.func @transform_0(%arg0: i32) -> (i32, i32, i32) {
    %c0_i32 = arith.constant 0 : i32
    %c0_i32_0 = arith.constant 0 : i32
    %c0_i32_1 = arith.constant 0 : i32
    return %c0_i32, %arg0, %c0_i32_0 : i32, i32, i32
  }
  func.func @transform_1(%arg0: i32) -> (i32, i32, i32) {
    %c1_i32 = arith.constant 1 : i32
    %c0_i32 = arith.constant 0 : i32
    %c0_i32_0 = arith.constant 0 : i32
    return %c1_i32, %arg0, %c0_i32 : i32, i32, i32
  }
  func.func @transform_2(%arg0: i32) -> (i32, i32) {
    %c0_i32 = arith.constant 0 : i32
    %c0_i32_0 = arith.constant 0 : i32
    return %arg0, %c0_i32 : i32, i32
  }
  func.func @transform_3(%arg0: i32) -> (i32, i32) {
    %c0_i32 = arith.constant 0 : i32
    %c0_i32_0 = arith.constant 0 : i32
    return %c0_i32, %arg0 : i32, i32
  }
  func.func @transform_4(%arg0: i32) -> (i32, i32) {
    %c0_i32 = arith.constant 0 : i32
    %c0_i32_0 = arith.constant 0 : i32
    %c0_i32_1 = arith.constant 0 : i32
    return %c0_i32, %c0_i32_0 : i32, i32
  }
  func.func @transform_5(%arg0: i32) -> (i32, i32) {
    %c0_i32 = arith.constant 0 : i32
    %c0_i32_0 = arith.constant 0 : i32
    return %arg0, %c0_i32 : i32, i32
  }
  func.func @transform_6(%arg0: i32) -> (i32, i32) {
    %c0_i32 = arith.constant 0 : i32
    %c0_i32_0 = arith.constant 0 : i32
    %c0_i32_1 = arith.constant 0 : i32
    return %c0_i32, %c0_i32_0 : i32, i32
  }
  func.func @transform_7(%arg0: i32) -> (i32, i32) {
    %c0_i32 = arith.constant 0 : i32
    %c0_i32_0 = arith.constant 0 : i32
    %c0_i32_1 = arith.constant 0 : i32
    return %c0_i32, %c0_i32_0 : i32, i32
  }
  func.func @transform_8(%arg0: i32) -> (i32, i32) {
    %c0_i32 = arith.constant 0 : i32
    %c0_i32_0 = arith.constant 0 : i32
    %c0_i32_1 = arith.constant 0 : i32
    return %c0_i32, %c0_i32_0 : i32, i32
  }
}

</mosaic_0001>

<sc_bundles>
// kernel: kernel.11.cloned.1.call-start
scs
__scs_entry_jumppad:
0x0: {  	(pc) =	sbr.rel $0x88, $3  }
0x1: {  	(tag) =	ssettag $0x0;
	lr =	simm.s32 $0x1  }
0x2: {  	[smem:$0x3F98] =	sst lr;
	_ =	strace $0xD0000000  }
0x3: {  	_ = 	snop  }
0x4: {  	_ = 	snop  }
0x5: {  	_ = 	snop  }
0x6: {  	_ = 	snop  }
0x7: {  	_ = 	snop  }
__scs_overlays_trampoline_lowered:
0x8: {  	[smem:$0x3FA7] =	sst s0  }
0x9: {  	[smem:$0x3FA8] =	sst s1  }
0xa: {  	[smem:$0x3FA9] =	sst s2  }
0xb: {  	[smem:$0x3FAA] =	sst s3  }
0xc: {  	[smem:$0x3FAB] =	sst s4  }
0xd: {  	[smem:$0x3FAC] =	sst s5  }
0xe: {  	[smem:$0x3FAD] =	sst s6  }
0xf: {  	[smem:$0x3FAE] =	sst s7  }
0x10: {  	[smem:$0x3FAF] =	sst s8  }
0x11: {  	[smem:$0x3FB0] =	sst s9;
	s0 =	simm.s32 @!p0 $0x0  }
0x12: {  	s1 =	sld [smem:$0x3F96];
	s0 =	simm.s32 @p0 $0x1  }
0x13: {  	[smem:$0x3FB1] =	sst s0;
	s0 =	simm.s32 @!p1 $0x0  }
0x14: {  	s2 =	sld [smem:$0x3F95];
	s0 =	simm.s32 @p1 $0x1  }
0x15: {  	[smem:$0x3FB2] =	sst s0;
	s0 =	simm.s32 @!p2 $0x0  }
0x16: {  	s3 =	sld [smem:$0x3FDB];
	s0 =	simm.s32 @p2 $0x1  }
0x17: {  	s4 =	simm.s32 $0x1BF5;
	[smem:$0x3FB4] =	sst s0  }
0x18: {  	s0 =	sld [smem:$0x3F97];
	_ =	swait.ge [sflag:s4], $0x0  }
0x19: {  	s7 =	sld [smem:$0x3F98]  }
0x1a: {  	s8 =	sadd.s32 $0xFFFFE003, lr  }
0x1b: {  	s9 =	sadd.s32 $0xFFFFFEF7, lr;
	s5 =	simm.s32 $0xFFFFFFFF;
	p2 =	slt.u32 s8, $0xFFFFF086  }
0x1c: {  	p1 =	slt.u32 s9, $0xF7A;
	s5 =	simm.s32 @!p2 $0x0  }
0x1d: {  	s5 =	simm.s32 @p1 $0x1;
	p0 =	seq.s32 s7, s2  }
0x1e: {  	s7 =	smul.u32 @!p0 $0xF7A, s2;
	p2 =	seq.s32 @!p0 s5, $0x0  }
0x1f: {  	s9 =	smul.u32 $0xF7A, s1;
	s8 =	simm.s32 @!p0 $0x1BF5;
	p2 =	por !p2, p0  }
0x20: {  	[sflag:s8] =	ssyncset.s32 @!p0 $0xFFFFF086;
	s6 =	sadd.s32 @!p0 s3, s7;
	s7 =	simm.s32 @!p0 $0x108  }
0x21: {  	s3 =	sadd.s32 s3, s9;
	s6 =	sadd.s32 @!p0 $0x88, s6;
	s7 =	simm.s32 @p2 $0x1082  }
0x22: {  	[simem:s7], [sflag:s8] =	dma.local @!p0 [hbm:s6], $0xF7A  }
0x23: {  	s9 =	sor.u32 $0xD0000000, s2;
	s6 =	simm.s32 $0x108;
	_ =	swait.ge @!p0 [sflag:s8], $0x0  }
0x24: {  	s3 =	sadd.s32 $0x88, s3;
	s6 =	simm.s32 @!p1 $0x1082;
	[sflag:s4] =	ssyncset.s32 $0xFFFFF086  }
0x25: {  	[simem:s6], [sflag:s4] =	dma.local [hbm:s3], $0xF7A  }
0x26: {  	[smem:$0x3F98] =	sst s1;
	(tag) =	ssettag s2;
	_ =	strace s9  }
0x27: {  	s1 =	sld [smem:$0x3FA8]  }
0x28: {  	s2 =	sld [smem:$0x3FA9]  }
0x29: {  	s4 =	sld [smem:$0x3FAB]  }
0x2a: {  	p0 =	seq.s32 s5, $0x0;
	s5 =	sld [smem:$0x3FAC]  }
0x2b: {  	s6 =	sld [smem:$0x3FAD]  }
0x2c: {  	s7 =	sld [smem:$0x3FAE]  }
0x2d: {  	s3 =	simm.s32 $0x108;
	s8 =	sld [smem:$0x3FAF]  }
0x2e: {  	s3 =	simm.s32 @!p0 $0x1082;
	s9 =	sld [smem:$0x3FB0]  }
0x2f: {  	lr =	sadd.s32 s0, s3;
	s0 =	sld [smem:$0x3FA7]  }
0x30: {  	s3 =	sld [smem:$0x3FAA]  }
0x31: {  	[smem:$0x3FB3] =	sst s10  }
0x32: {  	s10 =	sld [smem:$0x3FB1];
	_ =	sdelay $0x3  }
0x33: {  	p0 =	seq.s32 s10, $0x1;
	s10 =	sld [smem:$0x3FB3];
	_ =	sdelay $0x3  }
0x34: {  	[smem:$0x3FB3] =	sst s10  }
0x35: {  	s10 =	sld [smem:$0x3FB2];
	_ =	sdelay $0x3  }
0x36: {  	p1 =	seq.s32 s10, $0x1;
	s10 =	sld [smem:$0x3FB3];
	_ =	sdelay $0x3  }
0x37: {  	[smem:$0x3FB3] =	sst s10  }
0x38: {  	s10 =	sld [smem:$0x3FB4]  }
0x39: {  	_ = 	snop;
	(pc) =	sbr.ind lr, $3  }
0x3a: {  	_ = 	snop  }
0x3b: {  	_ = 	snop  }
0x3c: {  	p2 =	seq.s32 s10, $0x1;
	s10 =	sld [smem:$0x3FB3]  }
0x3d: {  	_ =	shalt  }
0x3e: {  	_ =	shalt  }
0x3f: {  	_ =	shalt  }
0x40: {  	_ =	shalt  }
0x41: {  	_ =	shalt  }
0x42: {  	_ =	shalt  }
0x43: {  	_ =	shalt  }
0x44: {  	_ =	shalt  }
0x45: {  	_ =	shalt  }
0x46: {  	_ =	shalt  }
0x47: {  	_ =	shalt  }
0x48: {  	_ =	shalt  }
0x49: {  	_ =	shalt  }
0x4a: {  	_ =	shalt  }
0x4b: {  	_ =	shalt  }
0x4c: {  	_ =	shalt  }
0x4d: {  	_ =	shalt  }
0x4e: {  	_ =	shalt  }
0x4f: {  	_ =	shalt  }
0x50: {  	_ =	shalt  }
0x51: {  	_ =	shalt  }
0x52: {  	_ =	shalt  }
0x53: {  	_ =	shalt  }
0x54: {  	_ =	shalt  }
0x55: {  	_ =	shalt  }
0x56: {  	_ =	shalt  }
0x57: {  	_ =	shalt  }
0x58: {  	_ =	shalt  }
0x59: {  	_ =	shalt  }
0x5a: {  	_ =	shalt  }
0x5b: {  	_ =	shalt  }
0x5c: {  	_ =	shalt  }
0x5d: {  	_ =	shalt  }
0x5e: {  	_ =	shalt  }
0x5f: {  	_ =	shalt  }
0x60: {  	_ =	shalt  }
0x61: {  	_ =	shalt  }
0x62: {  	_ =	shalt  }
0x63: {  	_ =	shalt  }
0x64: {  	_ =	shalt  }
0x65: {  	_ =	shalt  }
0x66: {  	_ =	shalt  }
0x67: {  	_ =	shalt  }
0x68: {  	_ =	shalt  }
0x69: {  	_ =	shalt  }
0x6a: {  	_ =	shalt  }
0x6b: {  	_ =	shalt  }
0x6c: {  	_ =	shalt  }
0x6d: {  	_ =	shalt  }
0x6e: {  	_ =	shalt  }
0x6f: {  	_ =	shalt  }
0x70: {  	_ =	shalt  }
0x71: {  	_ =	shalt  }
0x72: {  	_ =	shalt  }
0x73: {  	_ =	shalt  }
0x74: {  	_ =	shalt  }
0x75: {  	_ =	shalt  }
0x76: {  	_ =	shalt  }
0x77: {  	_ =	shalt  }
0x78: {  	_ =	shalt  }
0x79: {  	_ =	shalt  }
0x7a: {  	_ =	shalt  }
0x7b: {  	_ =	shalt  }
0x7c: {  	_ =	shalt  }
0x7d: {  	_ =	shalt  }
0x7e: {  	_ =	shalt  }
0x7f: {  	_ =	shalt  }
0x80: {  	_ =	shalt  }
0x81: {  	_ =	shalt  }
0x82: {  	_ =	shalt  }
0x83: {  	_ =	shalt  }
0x84: {  	_ =	shalt  }
0x85: {  	_ =	shalt  }
0x86: {  	_ =	shalt  }
0x87: {  	_ =	shalt  }
.Lfunc_end0:
.L_simem_size_0:
called_computation.1_lowered:
.L_overlay_start_0:
0x88: {  	s2 =	sld [smem:$0x3FD9]  }
0x89: {  	s3 =	sld [smem:$0x3FFE];
	_ =	sdelay $0x1  }
0x8a: {  	s1 =	srdreg.scid  }
0x8b: {  	s0 =	sand.u32 $0x1, s1  }
0x8c: {  	s16 =	sshll.u32 s0, $0xA;
	s2 =	sadd.s32 s3, s2  }
0x8d: {  	s2 =	sadd.s32 s2, s16  }
0x8e: {  	[smem:$0x3FBF] =	sst s2  }
0x8f: {  	_ = 	snop  }
0x90: {  	(tm) =	ssettm $0x1  }
0x91: {  	s17 =	sld [smem:$0x3FFB];
	_ =	sdelay $0x3  }
0x92: {  	_ =	strace s17  }
0x93: {  	s2 =	sld [smem:$0x3FFC];
	_ =	sdelay $0x3  }
0x94: {  	_ =	strace s2  }
0x95: {  	s2 =	sld [smem:$0x3FFD];
	_ =	sdelay $0x3  }
0x96: {  	_ =	strace s2  }
0x97: {  	_ =	strace $0x8FFFFFFF  }
0x98: {  	s18 =	sld [smem:$0x3FDB];
	_ =	sdelay $0x1  }
0x99: {  	s19 =	simm.s32 $_scs_section_size  }
0x9a: {  	s4 =	simm.s32 $_size__tile_overlayer_lowered;
	s5 =	simm.s32 $_tile_overlayer_lowered  }
0x9b: {  	s22 =	simm.s32 $0x1BFF;
	s21 =	sshll.u32 s5, $0x1;
	s2 =	sadd.s32 s19, s18  }
0x9c: {  	s6 =	simm.s32 $0x0;
	s20 =	sshll.u32 s4, $0x1;
	s4 =	sadd.s32 s21, s2  }
0x9d: {  	[timem:s6], [sflag:s22] =	dma.local [hbm:s4], s20  }
0x9e: {  	_ =	swait.ge [sflag:s22], s20  }
0x9f: {  	s3 =	ssub.s32 $0x0, s20;
	[sflag:s22] =	ssyncset.done $0x0  }
0xa0: {  	[sflag:s22] =	ssyncadd.s32 s3;
	_ =	sdelay $0x1  }
0xa1: {  	s23 =	simm.s32 $0x1B8B  }
0xa2: {  	_ =	swait.ge [sflag:s23], $0x1  }
0xa3: {  	[sflag:s23] =	ssyncset.done $0x0  }
0xa4: {  	s25 =	simm.s32 $0x1B8E;
	s24 =	sld [smem:$0x3FFE];
	[sflag:s23] =	ssyncadd.s32 $0xFFFFFFFF  }
0xa5: {  	s26 =	simm.s32 $execute0_lowered;
	[smem:$0x3FD2] =	sst s25  }
0xa6: {  	s4 =	sshll.u32 s26, $0x1;
	_ =	strace $0x80000049;
	[dreg:$0x1] =	wrdreg $0xFFFFFFFF  }
0xa7: {  	s28 =	simm.s32 $_size_execute0_lowered;
	s2 =	sadd.s32 s2, s4;
	[dreg:$0x0] =	wrdreg $0x0  }
0xa8: {  	s4 =	sshll.u32 s28, $0x1;
	[dreg:$0x2] =	wrdreg s2  }
0xa9: {  	[dreg:$0x3] =	wrdreg s4  }
0xaa: {  	[dreg:$0x4] =	wrdreg $0xC0  }
0xab: {  	_ =	task [dreg:s6], $0x5FFFF  }
0xac: {  	[dreg:$0x1] =	wrdreg $0xFFFFFFFF  }
0xad: {  	[dreg:$0x0] =	wrdreg $0x60  }
0xae: {  	[dreg:$0x2] =	wrdreg s24  }
0xaf: {  	[dreg:$0x3] =	wrdreg $0xA8000  }
0xb0: {  	[dreg:$0x4] =	wrdreg $0x9  }
0xb1: {  	_ =	task.clear_ibuf [dreg:s6], $0x5FFFF;
	_ =	strace $0x90000049  }
0xb2: {  	s29 =	simm.s32 $0x9;
	_ =	strace $0x8000004B  }
0xb3: {  	_ =	swait.ge [sflag:s29], $0x1  }
0xb4: {  	[sflag:s29] =	ssyncadd.s32 $0xFFFFFFFF  }
0xb5: {  	_ =	strace $0x9000004B  }
0xb6: {  	_ =	sfence  }
0xb7: {  	s30 =	sld [smem:$0x0];
	_ =	sdelay $0x2  }
0xb8: {  	s31 =	sshll.u32 s1, $0xD;
	s1 =	sshrl.u32 s1, $0x2  }
0xb9: {  	s3 =	sand.u32 $0x4000, s31;
	s1 =	sadd.s32 s1, s30  }
0xba: {  	s0 =	sor.u32 s3, s0;
	s1 =	sshll.u32 s1, $0x11  }
0xbb: {  	s0 =	sor.u32 s1, s0  }
0xbc: {  	s0 =	sadd.s32 $0x8F2B, s0  }
0xbd: {  	[sflag:s0] =	ssyncadd.remote.s32 $0x1  }
0xbe: {  	_ =	sfence.sel $0xFFFF  }
0xbf: {  	[dreg:$0x0] =	wrdreg $0xFFFFFFFF;
	(pc) =	sbr.abs _section_cstart, $3  }
0xc0: {  	[dreg:$0x1] =	wrdreg $0xFFFFFFFF  }
0xc1: {  	_ =	task.clear_ibuf [dreg:s6], $0x2FFFF;
	_ =	strace $0x9FFFFFFF  }
0xc2: {  	(tm) =	ssettm $0x7FFFFFFF  }
0xc3: {  	_ =	shalt  }
tec
execute0_lowered:
.L_overlay_start_1:
0x0: {  	(tag) =	ssettag $0x1  }
0x1: {  	s6 =	rddreg [dreg:$0x0]  }
0x2: {  	s0 =	srdreg.scid;
	s2 =	rddreg [dreg:$0x1];
	s3 =	simm.s32 $0x0  }
0x3: {  	s16 =	simm.s32 $0x2800;
	s17 =	simm.s32 $0x3;
	s18 =	simm.s32 $0x1400  }
0x4: {  	s19 =	simm.s32 $0x80;
	s20 =	simm.s32 $0x6800;
	s21 =	simm.s32 $0x1  }
0x5: {  	s22 =	simm.s32 $0x2;
	s23 =	simm.s32 $0x1380;
	s5 =	sand.u32 $0x1, s0  }
0x6: {  	s24 =	simm.s32 $0x2700;
	s0 =	stileid.u32;
	s7 =	smul.u32 $0x140000, s5  }
0x7: {  	s25 =	simm.s32 $0x2780;
	s1 =	sshll.u32 s5, $0x4;
	s8 =	smul.u32 $0x14000, s0  }
0x8: {  	s9 =	smul.u32 $0x50000, s0;
	s29 =	ssub.s32 $0x2, s5;
	s1 =	sor.u32 s0, s1  }
0x9: {  	[smem:$0x7FF] =	sst s3;
	s31 =	sshrl.u32 s29, $0x1;
	s4 =	smul.u32 $0x2800, s1  }
0xa: {  	s1 =	rddreg [dreg:$0x2];
	_ =	strace $0x8000004A;
	s7 =	sadd.s32 s8, s7  }
0xb: {  	s30 =	sshrl.u32 s9, $0x2;
	s15 =	ssub.s32 s29, s31;
	s7 =	sshrl.u32 s7, $0x3  }
0xc: {  	s5 =	sadd.s32 s30, s2;
	s15 =	smax.u32 s15, $0x1;
	s4 =	sshrl.u32 s4, $0x3  }
0xd: {  	s14 =	sadd.s32 s7, s6;
	s7 =	sadd.s32 $0x8000, s5;
	s8 =	sadd.s32 $0xC000, s5  }
0xe: {  	s9 =	sadd.s32 $0x10000, s5;
	s13 =	sadd.s32 s4, s6;
	s4 =	sadd.s32 $0x17000, s6  }
0xf: {  	s6 =	sadd.s32 $0x4000, s5;
	s14 =	sadd.s32 $0x3F000, s14;
	s10 =	sadd.s32 $0x3000, s13  }
0x10: {  	v0 =	vimm.f32 $0.0e+00;
	s11 =	sadd.s32 $0xD000, s13;
	s12 =	sadd.s32 $0x3280, s13;
	s13 =	sadd.s32 $0xD280, s13  }
.LBB2_1:
0x11: {  	s26 =	simm.s32 $0x0;
	s28 =	simm.s32 $0x200  }
.LBB2_2:
0x12: {  	p0 =	sne.s32 s28, $0xFE00;
	[tilespmem:s26+$0x2870] =	vst v0  }
0x13: {  	[tilespmem:s26+$0x2800] =	vst v0  }
0x14: {  	[tilespmem:s26+$0x2810] =	vst v0  }
.Ltmp0:
0x15: {  	[tilespmem:s26+$0x2820] =	vst v0;
	(pc) =	sbr.rel @p0 .LBB2_2-.Ltmp0, $4  }
0x16: {  	[tilespmem:s26+$0x2830] =	vst v0  }
0x17: {  	[tilespmem:s26+$0x2840] =	vst v0  }
0x18: {  	[tilespmem:s26+$0x2850] =	vst v0  }
0x19: {  	[tilespmem:s26+$0x2860] =	vst v0;
	s26 =	sshra.s32 s28, $0x2;
	s28 =	sadd.s32 $0x200, s28  }
0x1a: {  	[tilespmem:s26+$0x2870] =	vst v0  }
0x1b: {  	[tilespmem:s26+$0x2800] =	vst v0  }
0x1c: {  	[tilespmem:s26+$0x2810] =	vst v0  }
0x1d: {  	[tilespmem:s26+$0x2820] =	vst v0  }
0x1e: {  	[tilespmem:s26+$0x2830] =	vst v0  }
0x1f: {  	[tilespmem:s26+$0x2840] =	vst v0  }
0x20: {  	[tilespmem:s26+$0x2850] =	vst v0  }
0x21: {  	[tilespmem:s26+$0x2860] =	vst v0  }
0x22: {  	[spmem:s5] =	stream.linear.scatter [tilespmem:s16], [sflag:$0x3], $0x4000, $0x38;
	[tilespmem:$0x1E800] =	vst v63  }
0x23: {  	_ =	swait.ge [sflag:s17], $0x4000  }
0x24: {  	[sflag:s17] =	ssyncset.done $0x0  }
0x25: {  	[sflag:s17] =	ssyncadd.s32 $0xFFFFC000  }
0x26: {  	[spmem:s6] =	stream.linear.scatter [tilespmem:s16], [sflag:$0x3], $0x4000, $0x38;
	[tilespmem:$0x1E800] =	vst v63  }
0x27: {  	_ =	swait.ge [sflag:s17], $0x4000  }
0x28: {  	[sflag:s17] =	ssyncset.done $0x0  }
0x29: {  	[sflag:s17] =	ssyncadd.s32 $0xFFFFC000  }
0x2a: {  	[spmem:s7] =	stream.linear.scatter [tilespmem:s16], [sflag:$0x3], $0x4000, $0x38;
	[tilespmem:$0x1E800] =	vst v63  }
0x2b: {  	_ =	swait.ge [sflag:s17], $0x4000  }
0x2c: {  	[sflag:s17] =	ssyncset.done $0x0  }
0x2d: {  	[sflag:s17] =	ssyncadd.s32 $0xFFFFC000  }
0x2e: {  	[spmem:s8] =	stream.linear.scatter [tilespmem:s16], [sflag:$0x3], $0x4000, $0x38;
	[tilespmem:$0x1E800] =	vst v63  }
0x2f: {  	_ =	swait.ge [sflag:s17], $0x4000  }
0x30: {  	[sflag:s17] =	ssyncset.done $0x0  }
0x31: {  	[sflag:s17] =	ssyncadd.s32 $0xFFFFC000  }
0x32: {  	[spmem:s9] =	stream.linear.scatter [tilespmem:s16], [sflag:$0x3], $0x4000, $0x38;
	[tilespmem:$0x1E800] =	vst v63  }
0x33: {  	_ =	swait.ge [sflag:s17], $0x4000  }
0x34: {  	[sflag:s17] =	ssyncset.done $0x0  }
0x35: {  	[sflag:s17] =	ssyncadd.s32 $0xFFFFC000  }
0x36: {  	s30 =	simm.s32 $0x0;
	[bflag:$0x0] =	sbarrier.arrive $0xFFFF  }
0x37: {  	[tilespmem:s30], [sflag:$0x3] =	stream.linear.gather [hbm4b:s10+s30], $0x1400, $0x38;
	[tilespmem:$0x1E800] =	vst v63  }
0x38: {  	_ =	swait.ge [sflag:s17], $0x1400  }
0x39: {  	[sflag:s17] =	ssyncset.done $0x0  }
0x3a: {  	[sflag:s17] =	ssyncadd.s32 $0xFFFFEC00  }
0x3b: {  	[tilespmem:s18], [sflag:$0x3] =	stream.linear.gather [hbm4b:s11+s30], $0x1400, $0x38;
	[tilespmem:$0x1E800] =	vst v63  }
0x3c: {  	_ =	swait.ge [sflag:s17], $0x1400  }
0x3d: {  	[sflag:s17] =	ssyncset.done $0x0  }
0x3e: {  	[sflag:s17] =	ssyncadd.s32 $0xFFFFEC00  }
0x3f: {  	[tilespmem:s16], [sflag:$0x1] =	stream.indirect.gather [hbm4b:s4+s19], $0x80, s30, s19, $0xb8;
	[tilespmem:$0x1E800] =	vst v63  }
0x40: {  	s31 =	simm.s32 $0x80  }
0x41: {  	[tilespmem:s20], [sflag:$0x2] =	stream.indirect.gather [hbm4b:s4+s19], $0x80, s31, s19, $0xb8;
	[tilespmem:$0x1E800] =	vst v63  }
0x42: {  	_ =	swait.ge [sflag:s21], $0x4000  }
0x43: {  	[sflag:s21] =	ssyncset.done $0x0  }
0x44: {  	s29 =	simm.s32 $0x1400;
	[sflag:s21] =	ssyncadd.s32 $0xFFFFC000  }
0x45: {  	[spmem:s2] =	stream.indirect.scatter.add.f32 [tilespmem:s16], [sflag:$0x3], $0x80, s29, s19, $0xb8;
	[tilespmem:$0x1E800] =	vst v63  }
0x46: {  	_ =	swait.ge [sflag:s17], $0x4000  }
0x47: {  	[sflag:s17] =	ssyncset.done $0x0  }
0x48: {  	s30 =	simm.s32 $0x100;
	[sflag:s17] =	ssyncadd.s32 $0xFFFFC000  }
0x49: {  	[tilespmem:s16], [sflag:$0x1] =	stream.indirect.gather [hbm4b:s4+s19], $0x80, s30, s19, $0xb8;
	[tilespmem:$0x1E800] =	vst v63  }
0x4a: {  	_ =	swait.ge [sflag:s22], $0x4000  }
0x4b: {  	[sflag:s22] =	ssyncset.done $0x0  }
0x4c: {  	s31 =	simm.s32 $0x1480;
	[sflag:s22] =	ssyncadd.s32 $0xFFFFC000  }
0x4d: {  	[spmem:s2] =	stream.indirect.scatter.add.f32 [tilespmem:s20], [sflag:$0x3], $0x80, s31, s19, $0xb8;
	[tilespmem:$0x1E800] =	vst v63  }
0x4e: {  	_ =	swait.ge [sflag:s17], $0x4000  }
0x4f: {  	s28 =	simm.s32 $0x800;
	s26 =	simm.s32 $0x100;
	[sflag:s17] =	ssyncset.done $0x0  }
.LBB2_4:
0x50: {  	s29 =	sadd.s32 $0x80, s26  }
0x51: {  	[sflag:s17] =	ssyncadd.s32 $0xFFFFC000;
	s30 =	smov.u32 s28;
	s31 =	sadd.s32 $0x400, s28  }
0x52: {  	[tilespmem:s20], [sflag:$0x2] =	stream.indirect.gather [hbm4b:s4+s19], $0x80, s29, s19, $0xb8;
	[tilespmem:$0x1E800] =	vst v63  }
0x53: {  	p0 =	sne.s32 s28, $0x4800;
	_ =	swait.ge [sflag:s21], $0x4000  }
0x54: {  	[sflag:s21] =	ssyncset.done $0x0  }
0x55: {  	s28 =	sadd.s32 $0x1400, s26;
	[sflag:s21] =	ssyncadd.s32 $0xFFFFC000  }
0x56: {  	[spmem:s2] =	stream.indirect.scatter.add.f32 [tilespmem:s16], [sflag:$0x3], $0x80, s28, s19, $0xb8;
	[tilespmem:$0x1E800] =	vst v63  }
0x57: {  	_ =	swait.ge [sflag:s17], $0x4000  }
0x58: {  	[sflag:s17] =	ssyncset.done $0x0  }
0x59: {  	s28 =	sadd.s32 $0x100, s26;
	[sflag:s17] =	ssyncadd.s32 $0xFFFFC000  }
0x5a: {  	[tilespmem:s16], [sflag:$0x1] =	stream.indirect.gather [hbm4b:s4+s19], $0x80, s28, s19, $0xb8;
	[tilespmem:$0x1E800] =	vst v63  }
0x5b: {  	_ =	swait.ge [sflag:s22], $0x4000  }
.Ltmp1:
0x5c: {  	[sflag:s22] =	ssyncset.done $0x0;
	(pc) =	sbr.rel @p0 .LBB2_4-.Ltmp1, $4  }
0x5d: {  	s26 =	sadd.s32 $0x1480, s26;
	[sflag:s22] =	ssyncadd.s32 $0xFFFFC000  }
0x5e: {  	[spmem:s2] =	stream.indirect.scatter.add.f32 [tilespmem:s20], [sflag:$0x3], $0x80, s26, s19, $0xb8;
	[tilespmem:$0x1E800] =	vst v63  }
0x5f: {  	_ =	swait.ge [sflag:s17], $0x4000  }
0x60: {  	s28 =	smov.u32 s31;
	s26 =	sshra.s32 s30, $0x2;
	[sflag:s17] =	ssyncset.done $0x0  }
0x61: {  	s28 =	sadd.s32 $0x80, s26;
	[sflag:s17] =	ssyncadd.s32 $0xFFFFC000  }
0x62: {  	[tilespmem:s20], [sflag:$0x2] =	stream.indirect.gather [hbm4b:s4+s19], $0x80, s28, s19, $0xb8;
	[tilespmem:$0x1E800] =	vst v63  }
0x63: {  	_ =	swait.ge [sflag:s21], $0x4000  }
0x64: {  	[sflag:s21] =	ssyncset.done $0x0  }
0x65: {  	s28 =	sadd.s32 $0x1400, s26;
	[sflag:s21] =	ssyncadd.s32 $0xFFFFC000  }
0x66: {  	[spmem:s2] =	stream.indirect.scatter.add.f32 [tilespmem:s16], [sflag:$0x3], $0x80, s28, s19, $0xb8;
	[tilespmem:$0x1E800] =	vst v63  }
0x67: {  	_ =	swait.ge [sflag:s17], $0x4000  }
0x68: {  	[sflag:s17] =	ssyncset.done $0x0  }
0x69: {  	s28 =	sadd.s32 $0x100, s26;
	[sflag:s17] =	ssyncadd.s32 $0xFFFFC000  }
0x6a: {  	[tilespmem:s16], [sflag:$0x1] =	stream.indirect.gather [hbm4b:s4+s19], $0x80, s28, s19, $0xb8;
	[tilespmem:$0x1E800] =	vst v63  }
0x6b: {  	_ =	swait.ge [sflag:s22], $0x4000  }
0x6c: {  	[sflag:s22] =	ssyncset.done $0x0  }
0x6d: {  	s29 =	sadd.s32 $0x1480, s26;
	[sflag:s22] =	ssyncadd.s32 $0xFFFFC000  }
0x6e: {  	[spmem:s2] =	stream.indirect.scatter.add.f32 [tilespmem:s20], [sflag:$0x3], $0x80, s29, s19, $0xb8;
	[tilespmem:$0x1E800] =	vst v63  }
0x6f: {  	_ =	swait.ge [sflag:s17], $0x4000  }
0x70: {  	[sflag:s17] =	ssyncset.done $0x0  }
0x71: {  	[sflag:s17] =	ssyncadd.s32 $0xFFFFC000  }
0x72: {  	[tilespmem:s20], [sflag:$0x2] =	stream.indirect.gather [hbm4b:s4+s19], $0x80, s23, s19, $0xb8;
	[tilespmem:$0x1E800] =	vst v63  }
0x73: {  	_ =	swait.ge [sflag:s21], $0x4000  }
0x74: {  	[sflag:s21] =	ssyncset.done $0x0  }
0x75: {  	[sflag:s21] =	ssyncadd.s32 $0xFFFFC000  }
0x76: {  	[spmem:s2] =	stream.indirect.scatter.add.f32 [tilespmem:s16], [sflag:$0x3], $0x80, s24, s19, $0xb8;
	[tilespmem:$0x1E800] =	vst v63  }
0x77: {  	_ =	swait.ge [sflag:s17], $0x4000  }
0x78: {  	[sflag:s17] =	ssyncset.done $0x0  }
0x79: {  	[sflag:s17] =	ssyncadd.s32 $0xFFFFC000  }
0x7a: {  	_ =	swait.ge [sflag:s22], $0x4000  }
0x7b: {  	[sflag:s22] =	ssyncset.done $0x0  }
0x7c: {  	[sflag:s22] =	ssyncadd.s32 $0xFFFFC000  }
0x7d: {  	[spmem:s2] =	stream.indirect.scatter.add.f32 [tilespmem:s20], [sflag:$0x3], $0x80, s25, s19, $0xb8;
	[tilespmem:$0x1E800] =	vst v63  }
0x7e: {  	_ =	swait.ge [sflag:s17], $0x4000  }
0x7f: {  	[sflag:s17] =	ssyncset.done $0x0  }
0x80: {  	s30 =	simm.s32 $0x0;
	[sflag:s17] =	ssyncadd.s32 $0xFFFFC000  }
0x81: {  	[tilespmem:s30], [sflag:$0x3] =	stream.linear.gather [hbm4b:s12+s30], $0x1400, $0x38;
	[tilespmem:$0x1E800] =	vst v63  }
0x82: {  	_ =	swait.ge [sflag:s17], $0x1400  }
0x83: {  	[sflag:s17] =	ssyncset.done $0x0  }
0x84: {  	[sflag:s17] =	ssyncadd.s32 $0xFFFFEC00  }
0x85: {  	[tilespmem:s18], [sflag:$0x3] =	stream.linear.gather [hbm4b:s13+s30], $0x1400, $0x38;
	[tilespmem:$0x1E800] =	vst v63  }
0x86: {  	_ =	swait.ge [sflag:s17], $0x1400  }
0x87: {  	[sflag:s17] =	ssyncset.done $0x0  }
0x88: {  	[sflag:s17] =	ssyncadd.s32 $0xFFFFEC00  }
0x89: {  	[tilespmem:s16], [sflag:$0x1] =	stream.indirect.gather [hbm4b:s4+s19], $0x80, s30, s19, $0xb8;
	[tilespmem:$0x1E800] =	vst v63  }
0x8a: {  	s31 =	simm.s32 $0x80  }
0x8b: {  	[tilespmem:s20], [sflag:$0x2] =	stream.indirect.gather [hbm4b:s4+s19], $0x80, s31, s19, $0xb8;
	[tilespmem:$0x1E800] =	vst v63  }
0x8c: {  	_ =	swait.ge [sflag:s21], $0x4000  }
0x8d: {  	[sflag:s21] =	ssyncset.done $0x0  }
0x8e: {  	s29 =	simm.s32 $0x1400;
	[sflag:s21] =	ssyncadd.s32 $0xFFFFC000  }
0x8f: {  	[spmem:s2] =	stream.indirect.scatter.add.f32 [tilespmem:s16], [sflag:$0x3], $0x80, s29, s19, $0xb8;
	[tilespmem:$0x1E800] =	vst v63  }
0x90: {  	_ =	swait.ge [sflag:s17], $0x4000  }
0x91: {  	[sflag:s17] =	ssyncset.done $0x0  }
0x92: {  	s30 =	simm.s32 $0x100;
	[sflag:s17] =	ssyncadd.s32 $0xFFFFC000  }
0x93: {  	[tilespmem:s16], [sflag:$0x1] =	stream.indirect.gather [hbm4b:s4+s19], $0x80, s30, s19, $0xb8;
	[tilespmem:$0x1E800] =	vst v63  }
0x94: {  	_ =	swait.ge [sflag:s22], $0x4000  }
0x95: {  	[sflag:s22] =	ssyncset.done $0x0  }
0x96: {  	s31 =	simm.s32 $0x1480;
	[sflag:s22] =	ssyncadd.s32 $0xFFFFC000  }
0x97: {  	[spmem:s2] =	stream.indirect.scatter.add.f32 [tilespmem:s20], [sflag:$0x3], $0x80, s31, s19, $0xb8;
	[tilespmem:$0x1E800] =	vst v63  }
0x98: {  	_ =	swait.ge [sflag:s17], $0x4000  }
0x99: {  	s26 =	simm.s32 $0x100;
	s28 =	simm.s32 $0x800;
	[sflag:s17] =	ssyncset.done $0x0  }
.LBB2_6:
0x9a: {  	s29 =	sadd.s32 $0x80, s26  }
0x9b: {  	[sflag:s17] =	ssyncadd.s32 $0xFFFFC000;
	s30 =	smov.u32 s28;
	s31 =	sadd.s32 $0x400, s28  }
0x9c: {  	[tilespmem:s20], [sflag:$0x2] =	stream.indirect.gather [hbm4b:s4+s19], $0x80, s29, s19, $0xb8;
	[tilespmem:$0x1E800] =	vst v63  }
0x9d: {  	p0 =	sne.s32 s28, $0x4800;
	_ =	swait.ge [sflag:s21], $0x4000  }
0x9e: {  	[sflag:s21] =	ssyncset.done $0x0  }
0x9f: {  	s28 =	sadd.s32 $0x1400, s26;
	[sflag:s21] =	ssyncadd.s32 $0xFFFFC000  }
0xa0: {  	[spmem:s2] =	stream.indirect.scatter.add.f32 [tilespmem:s16], [sflag:$0x3], $0x80, s28, s19, $0xb8;
	[tilespmem:$0x1E800] =	vst v63  }
0xa1: {  	_ =	swait.ge [sflag:s17], $0x4000  }
0xa2: {  	[sflag:s17] =	ssyncset.done $0x0  }
0xa3: {  	s28 =	sadd.s32 $0x100, s26;
	[sflag:s17] =	ssyncadd.s32 $0xFFFFC000  }
0xa4: {  	[tilespmem:s16], [sflag:$0x1] =	stream.indirect.gather [hbm4b:s4+s19], $0x80, s28, s19, $0xb8;
	[tilespmem:$0x1E800] =	vst v63  }
0xa5: {  	_ =	swait.ge [sflag:s22], $0x4000  }
.Ltmp2:
0xa6: {  	[sflag:s22] =	ssyncset.done $0x0;
	(pc) =	sbr.rel @p0 .LBB2_6-.Ltmp2, $4  }
0xa7: {  	s26 =	sadd.s32 $0x1480, s26;
	[sflag:s22] =	ssyncadd.s32 $0xFFFFC000  }
0xa8: {  	[spmem:s2] =	stream.indirect.scatter.add.f32 [tilespmem:s20], [sflag:$0x3], $0x80, s26, s19, $0xb8;
	[tilespmem:$0x1E800] =	vst v63  }
0xa9: {  	_ =	swait.ge [sflag:s17], $0x4000  }
0xaa: {  	s28 =	smov.u32 s31;
	s26 =	sshra.s32 s30, $0x2;
	[sflag:s17] =	ssyncset.done $0x0  }
0xab: {  	s28 =	sadd.s32 $0x80, s26;
	[sflag:s17] =	ssyncadd.s32 $0xFFFFC000  }
0xac: {  	[tilespmem:s20], [sflag:$0x2] =	stream.indirect.gather [hbm4b:s4+s19], $0x80, s28, s19, $0xb8;
	[tilespmem:$0x1E800] =	vst v63  }
0xad: {  	_ =	swait.ge [sflag:s21], $0x4000  }
0xae: {  	[sflag:s21] =	ssyncset.done $0x0  }
0xaf: {  	s30 =	sadd.s32 $0x1400, s26;
	[sflag:s21] =	ssyncadd.s32 $0xFFFFC000  }
0xb0: {  	[spmem:s2] =	stream.indirect.scatter.add.f32 [tilespmem:s16], [sflag:$0x3], $0x80, s30, s19, $0xb8;
	[tilespmem:$0x1E800] =	vst v63  }
0xb1: {  	_ =	swait.ge [sflag:s17], $0x4000  }
0xb2: {  	[sflag:s17] =	ssyncset.done $0x0  }
0xb3: {  	s31 =	sadd.s32 $0x100, s26;
	[sflag:s17] =	ssyncadd.s32 $0xFFFFC000  }
0xb4: {  	[tilespmem:s16], [sflag:$0x1] =	stream.indirect.gather [hbm4b:s4+s19], $0x80, s31, s19, $0xb8;
	[tilespmem:$0x1E800] =	vst v63  }
0xb5: {  	_ =	swait.ge [sflag:s22], $0x4000  }
0xb6: {  	[sflag:s22] =	ssyncset.done $0x0  }
0xb7: {  	s29 =	sadd.s32 $0x1480, s26;
	[sflag:s22] =	ssyncadd.s32 $0xFFFFC000  }
0xb8: {  	[spmem:s2] =	stream.indirect.scatter.add.f32 [tilespmem:s20], [sflag:$0x3], $0x80, s29, s19, $0xb8;
	[tilespmem:$0x1E800] =	vst v63  }
0xb9: {  	_ =	swait.ge [sflag:s17], $0x4000  }
0xba: {  	[sflag:s17] =	ssyncset.done $0x0  }
0xbb: {  	[sflag:s17] =	ssyncadd.s32 $0xFFFFC000  }
0xbc: {  	[tilespmem:s20], [sflag:$0x2] =	stream.indirect.gather [hbm4b:s4+s19], $0x80, s23, s19, $0xb8;
	[tilespmem:$0x1E800] =	vst v63  }
0xbd: {  	_ =	swait.ge [sflag:s21], $0x4000  }
0xbe: {  	[sflag:s21] =	ssyncset.done $0x0  }
0xbf: {  	[sflag:s21] =	ssyncadd.s32 $0xFFFFC000  }
0xc0: {  	[spmem:s2] =	stream.indirect.scatter.add.f32 [tilespmem:s16], [sflag:$0x3], $0x80, s24, s19, $0xb8;
	[tilespmem:$0x1E800] =	vst v63  }
0xc1: {  	_ =	swait.ge [sflag:s17], $0x4000  }
0xc2: {  	[sflag:s17] =	ssyncset.done $0x0  }
0xc3: {  	[sflag:s17] =	ssyncadd.s32 $0xFFFFC000  }
0xc4: {  	_ =	swait.ge [sflag:s22], $0x4000  }
0xc5: {  	[sflag:s22] =	ssyncset.done $0x0  }
0xc6: {  	[sflag:s22] =	ssyncadd.s32 $0xFFFFC000  }
0xc7: {  	[spmem:s2] =	stream.indirect.scatter.add.f32 [tilespmem:s20], [sflag:$0x3], $0x80, s25, s19, $0xb8;
	[tilespmem:$0x1E800] =	vst v63  }
0xc8: {  	_ =	swait.ge [sflag:s17], $0x4000  }
0xc9: {  	s3 =	sadd.s32 $0x1, s3;
	s30 =	sshll.u32 s0, $0x6;
	[sflag:s17] =	ssyncset.done $0x0  }
0xca: {  	p0 =	sne.s32 s3, s15;
	s26 =	sor.u32 $0x1C03, s30;
	[sflag:s17] =	ssyncadd.s32 $0xFFFFC000  }
.Ltmp3:
0xcb: {  	s31 =	sshrl.u32 s5, $0x3;
	[bflag:$0x0] =	sbarrier.arrive $0xFFFF;
	(pc) =	sbr.rel @p0 .LBB2_1-.Ltmp3, $4  }
0xcc: {  	[hbm:s14], [sflag:s26] =	dma.local [spmem:s31], $0x2800  }
0xcd: {  	_ =	swait.ge [sflag:s17], $0x2800  }
0xce: {  	[sflag:s17] =	ssyncset.done $0x0  }
0xcf: {  	[sflag:s17] =	ssyncadd.s32 $0xFFFFD800  }
0xd0: {  	_ =	sfence.sel $0x180000  }
0xd1: {  	[bflag:$0x0] =	sbarrier.arrive $0xFFFF  }
0xd2: {  	p0 =	sne.s32 s0, $0x0;
	_ =	strace $0x9000004A  }
0xd3: {  	s0 =	sadd.s32 @!p0 $0x100000, s1;
	[bflag:$0x2] =	sbarrier.arrive $0xFFFF  }
0xd4: {  	[sflag:s0] =	ssyncadd.tile.s32 @!p0 $0x1;
	_ =	shalt  }
.Lfunc_end2:
_tile_overlayer_lowered:
.L_overlay_start_2:
0xd5: {  	(tag) =	ssettag $0x2  }
0xd6: {  	s0 =	rddreg [dreg:$0x0];
	s2 =	stileid.u32  }
0xd7: {  	s1 =	rddreg [dreg:$0x1];
	p0 =	sne.s32 s2, $0x0  }
0xd8: {  	s3 =	rddreg [dreg:$0x2];
	[bflag:$0x3] =	sbarrier.arrive $0xFFFF;
	s2 =	simm.s32 @!p0 $0x1C03  }
0xd9: {  	[timem:s3], [sflag:s2] =	dma.local @!p0 [hbm:s0], s1  }
0xda: {  	s0 =	simm.s32 @!p0 $0x3  }
0xdb: {  	_ =	swait.ge @!p0 [sflag:s0], s1  }
0xdc: {  	s1 =	ssub.s32 @!p0 $0x0, s1;
	[sflag:s0] =	ssyncset.done @!p0 $0x0  }
0xdd: {  	[sflag:s0] =	ssyncadd.s32 @!p0 s1  }
0xde: {  	[bflag:$0x3] =	sbarrier.arrive $0xFFFF  }
0xdf: {  	_ =	shalt  }

// kernel: kernel.14.cloned.1.call-start
scs
__scs_entry_jumppad:
0x0: {  	(pc) =	sbr.rel $0x88, $3  }
0x1: {  	(tag) =	ssettag $0x0;
	lr =	simm.s32 $0x1  }
0x2: {  	[smem:$0x3F98] =	sst lr;
	_ =	strace $0xD0000000  }
0x3: {  	_ = 	snop  }
0x4: {  	_ = 	snop  }
0x5: {  	_ = 	snop  }
0x6: {  	_ = 	snop  }
0x7: {  	_ = 	snop  }
__scs_overlays_trampoline_lowered:
0x8: {  	[smem:$0x3FA7] =	sst s0  }
0x9: {  	[smem:$0x3FA8] =	sst s1  }
0xa: {  	[smem:$0x3FA9] =	sst s2  }
0xb: {  	[smem:$0x3FAA] =	sst s3  }
0xc: {  	[smem:$0x3FAB] =	sst s4  }
0xd: {  	[smem:$0x3FAC] =	sst s5  }
0xe: {  	[smem:$0x3FAD] =	sst s6  }
0xf: {  	[smem:$0x3FAE] =	sst s7  }
0x10: {  	[smem:$0x3FAF] =	sst s8  }
0x11: {  	[smem:$0x3FB0] =	sst s9;
	s0 =	simm.s32 @!p0 $0x0  }
0x12: {  	s1 =	sld [smem:$0x3F96];
	s0 =	simm.s32 @p0 $0x1  }
0x13: {  	[smem:$0x3FB1] =	sst s0;
	s0 =	simm.s32 @!p1 $0x0  }
0x14: {  	s2 =	sld [smem:$0x3F95];
	s0 =	simm.s32 @p1 $0x1  }
0x15: {  	[smem:$0x3FB2] =	sst s0;
	s0 =	simm.s32 @!p2 $0x0  }
0x16: {  	s3 =	sld [smem:$0x3FDB];
	s0 =	simm.s32 @p2 $0x1  }
0x17: {  	s4 =	simm.s32 $0x1BF5;
	[smem:$0x3FB4] =	sst s0  }
0x18: {  	s0 =	sld [smem:$0x3F97];
	_ =	swait.ge [sflag:s4], $0x0  }
0x19: {  	s7 =	sld [smem:$0x3F98]  }
0x1a: {  	s8 =	sadd.s32 $0xFFFFE003, lr  }
0x1b: {  	s9 =	sadd.s32 $0xFFFFFEF7, lr;
	s5 =	simm.s32 $0xFFFFFFFF;
	p2 =	slt.u32 s8, $0xFFFFF086  }
0x1c: {  	p1 =	slt.u32 s9, $0xF7A;
	s5 =	simm.s32 @!p2 $0x0  }
0x1d: {  	s5 =	simm.s32 @p1 $0x1;
	p0 =	seq.s32 s7, s2  }
0x1e: {  	s7 =	smul.u32 @!p0 $0xF7A, s2;
	p2 =	seq.s32 @!p0 s5, $0x0  }
0x1f: {  	s9 =	smul.u32 $0xF7A, s1;
	s8 =	simm.s32 @!p0 $0x1BF5;
	p2 =	por !p2, p0  }
0x20: {  	[sflag:s8] =	ssyncset.s32 @!p0 $0xFFFFF086;
	s6 =	sadd.s32 @!p0 s3, s7;
	s7 =	simm.s32 @!p0 $0x108  }
0x21: {  	s3 =	sadd.s32 s3, s9;
	s6 =	sadd.s32 @!p0 $0x88, s6;
	s7 =	simm.s32 @p2 $0x1082  }
0x22: {  	[simem:s7], [sflag:s8] =	dma.local @!p0 [hbm:s6], $0xF7A  }
0x23: {  	s9 =	sor.u32 $0xD0000000, s2;
	s6 =	simm.s32 $0x108;
	_ =	swait.ge @!p0 [sflag:s8], $0x0  }
0x24: {  	s3 =	sadd.s32 $0x88, s3;
	s6 =	simm.s32 @!p1 $0x1082;
	[sflag:s4] =	ssyncset.s32 $0xFFFFF086  }
0x25: {  	[simem:s6], [sflag:s4] =	dma.local [hbm:s3], $0xF7A  }
0x26: {  	[smem:$0x3F98] =	sst s1;
	(tag) =	ssettag s2;
	_ =	strace s9  }
0x27: {  	s1 =	sld [smem:$0x3FA8]  }
0x28: {  	s2 =	sld [smem:$0x3FA9]  }
0x29: {  	s4 =	sld [smem:$0x3FAB]  }
0x2a: {  	p0 =	seq.s32 s5, $0x0;
	s5 =	sld [smem:$0x3FAC]  }
0x2b: {  	s6 =	sld [smem:$0x3FAD]  }
0x2c: {  	s7 =	sld [smem:$0x3FAE]  }
0x2d: {  	s3 =	simm.s32 $0x108;
	s8 =	sld [smem:$0x3FAF]  }
0x2e: {  	s3 =	simm.s32 @!p0 $0x1082;
	s9 =	sld [smem:$0x3FB0]  }
0x2f: {  	lr =	sadd.s32 s0, s3;
	s0 =	sld [smem:$0x3FA7]  }
0x30: {  	s3 =	sld [smem:$0x3FAA]  }
0x31: {  	[smem:$0x3FB3] =	sst s10  }
0x32: {  	s10 =	sld [smem:$0x3FB1];
	_ =	sdelay $0x3  }
0x33: {  	p0 =	seq.s32 s10, $0x1;
	s10 =	sld [smem:$0x3FB3];
	_ =	sdelay $0x3  }
0x34: {  	[smem:$0x3FB3] =	sst s10  }
0x35: {  	s10 =	sld [smem:$0x3FB2];
	_ =	sdelay $0x3  }
0x36: {  	p1 =	seq.s32 s10, $0x1;
	s10 =	sld [smem:$0x3FB3];
	_ =	sdelay $0x3  }
0x37: {  	[smem:$0x3FB3] =	sst s10  }
0x38: {  	s10 =	sld [smem:$0x3FB4]  }
0x39: {  	_ = 	snop;
	(pc) =	sbr.ind lr, $3  }
0x3a: {  	_ = 	snop  }
0x3b: {  	_ = 	snop  }
0x3c: {  	p2 =	seq.s32 s10, $0x1;
	s10 =	sld [smem:$0x3FB3]  }
0x3d: {  	_ =	shalt  }
0x3e: {  	_ =	shalt  }
0x3f: {  	_ =	shalt  }
0x40: {  	_ =	shalt  }
0x41: {  	_ =	shalt  }
0x42: {  	_ =	shalt  }
0x43: {  	_ =	shalt  }
0x44: {  	_ =	shalt  }
0x45: {  	_ =	shalt  }
0x46: {  	_ =	shalt  }
0x47: {  	_ =	shalt  }
0x48: {  	_ =	shalt  }
0x49: {  	_ =	shalt  }
0x4a: {  	_ =	shalt  }
0x4b: {  	_ =	shalt  }
0x4c: {  	_ =	shalt  }
0x4d: {  	_ =	shalt  }
0x4e: {  	_ =	shalt  }
0x4f: {  	_ =	shalt  }
0x50: {  	_ =	shalt  }
0x51: {  	_ =	shalt  }
0x52: {  	_ =	shalt  }
0x53: {  	_ =	shalt  }
0x54: {  	_ =	shalt  }
0x55: {  	_ =	shalt  }
0x56: {  	_ =	shalt  }
0x57: {  	_ =	shalt  }
0x58: {  	_ =	shalt  }
0x59: {  	_ =	shalt  }
0x5a: {  	_ =	shalt  }
0x5b: {  	_ =	shalt  }
0x5c: {  	_ =	shalt  }
0x5d: {  	_ =	shalt  }
0x5e: {  	_ =	shalt  }
0x5f: {  	_ =	shalt  }
0x60: {  	_ =	shalt  }
0x61: {  	_ =	shalt  }
0x62: {  	_ =	shalt  }
0x63: {  	_ =	shalt  }
0x64: {  	_ =	shalt  }
0x65: {  	_ =	shalt  }
0x66: {  	_ =	shalt  }
0x67: {  	_ =	shalt  }
0x68: {  	_ =	shalt  }
0x69: {  	_ =	shalt  }
0x6a: {  	_ =	shalt  }
0x6b: {  	_ =	shalt  }
0x6c: {  	_ =	shalt  }
0x6d: {  	_ =	shalt  }
0x6e: {  	_ =	shalt  }
0x6f: {  	_ =	shalt  }
0x70: {  	_ =	shalt  }
0x71: {  	_ =	shalt  }
0x72: {  	_ =	shalt  }
0x73: {  	_ =	shalt  }
0x74: {  	_ =	shalt  }
0x75: {  	_ =	shalt  }
0x76: {  	_ =	shalt  }
0x77: {  	_ =	shalt  }
0x78: {  	_ =	shalt  }
0x79: {  	_ =	shalt  }
0x7a: {  	_ =	shalt  }
0x7b: {  	_ =	shalt  }
0x7c: {  	_ =	shalt  }
0x7d: {  	_ =	shalt  }
0x7e: {  	_ =	shalt  }
0x7f: {  	_ =	shalt  }
0x80: {  	_ =	shalt  }
0x81: {  	_ =	shalt  }
0x82: {  	_ =	shalt  }
0x83: {  	_ =	shalt  }
0x84: {  	_ =	shalt  }
0x85: {  	_ =	shalt  }
0x86: {  	_ =	shalt  }
0x87: {  	_ =	shalt  }
.Lfunc_end0:
.L_simem_size_0:
called_computation.2_lowered:
.L_overlay_start_0:
0x88: {  	s2 =	sld [smem:$0x3FD9]  }
0x89: {  	s3 =	sld [smem:$0x3FFE];
	_ =	sdelay $0x1  }
0x8a: {  	s1 =	srdreg.scid  }
0x8b: {  	s0 =	sand.u32 $0x1, s1  }
0x8c: {  	s16 =	sshll.u32 s0, $0xA;
	s2 =	sadd.s32 s3, s2  }
0x8d: {  	s2 =	sadd.s32 s2, s16  }
0x8e: {  	[smem:$0x3FBF] =	sst s2  }
0x8f: {  	_ = 	snop  }
0x90: {  	(tm) =	ssettm $0x1  }
0x91: {  	s17 =	sld [smem:$0x3FFB];
	_ =	sdelay $0x3  }
0x92: {  	_ =	strace s17  }
0x93: {  	s2 =	sld [smem:$0x3FFC];
	_ =	sdelay $0x3  }
0x94: {  	_ =	strace s2  }
0x95: {  	s2 =	sld [smem:$0x3FFD];
	_ =	sdelay $0x3  }
0x96: {  	_ =	strace s2  }
0x97: {  	_ =	strace $0x8FFFFFFF  }
0x98: {  	s18 =	sld [smem:$0x3FDB];
	_ =	sdelay $0x1  }
0x99: {  	s19 =	simm.s32 $_scs_section_size  }
0x9a: {  	s4 =	simm.s32 $_size__tile_overlayer_lowered;
	s5 =	simm.s32 $_tile_overlayer_lowered  }
0x9b: {  	s22 =	simm.s32 $0x1BFF;
	s21 =	sshll.u32 s5, $0x1;
	s2 =	sadd.s32 s19, s18  }
0x9c: {  	s6 =	simm.s32 $0x0;
	s20 =	sshll.u32 s4, $0x1;
	s4 =	sadd.s32 s21, s2  }
0x9d: {  	[timem:s6], [sflag:s22] =	dma.local [hbm:s4], s20  }
0x9e: {  	_ =	swait.ge [sflag:s22], s20  }
0x9f: {  	s3 =	ssub.s32 $0x0, s20;
	[sflag:s22] =	ssyncset.done $0x0  }
0xa0: {  	[sflag:s22] =	ssyncadd.s32 s3;
	_ =	sdelay $0x1  }
0xa1: {  	s23 =	simm.s32 $0x1B8B  }
0xa2: {  	_ =	swait.ge [sflag:s23], $0x1  }
0xa3: {  	[sflag:s23] =	ssyncset.done $0x0  }
0xa4: {  	s25 =	simm.s32 $0x1B8E;
	s24 =	sld [smem:$0x3FFE];
	[sflag:s23] =	ssyncadd.s32 $0xFFFFFFFF  }
0xa5: {  	s26 =	simm.s32 $execute0_lowered;
	[smem:$0x3FD2] =	sst s25  }
0xa6: {  	s4 =	sshll.u32 s26, $0x1;
	_ =	strace $0x8000004C;
	[dreg:$0x1] =	wrdreg $0xFFFFFFFF  }
0xa7: {  	s28 =	simm.s32 $_size_execute0_lowered;
	s2 =	sadd.s32 s2, s4;
	[dreg:$0x0] =	wrdreg $0x0  }
0xa8: {  	s4 =	sshll.u32 s28, $0x1;
	[dreg:$0x2] =	wrdreg s2  }
0xa9: {  	[dreg:$0x3] =	wrdreg s4  }
0xaa: {  	[dreg:$0x4] =	wrdreg $0xC0  }
0xab: {  	_ =	task [dreg:s6], $0x5FFFF  }
0xac: {  	[dreg:$0x1] =	wrdreg $0xFFFFFFFF  }
0xad: {  	[dreg:$0x0] =	wrdreg $0x60  }
0xae: {  	[dreg:$0x2] =	wrdreg s24  }
0xaf: {  	[dreg:$0x3] =	wrdreg $0xA8000  }
0xb0: {  	[dreg:$0x4] =	wrdreg $0x9  }
0xb1: {  	_ =	task.clear_ibuf [dreg:s6], $0x5FFFF;
	_ =	strace $0x9000004C  }
0xb2: {  	s29 =	simm.s32 $0x9;
	_ =	strace $0x8000004E  }
0xb3: {  	_ =	swait.ge [sflag:s29], $0x1  }
0xb4: {  	[sflag:s29] =	ssyncadd.s32 $0xFFFFFFFF  }
0xb5: {  	_ =	strace $0x9000004E  }
0xb6: {  	_ =	sfence  }
0xb7: {  	s30 =	sld [smem:$0x0];
	_ =	sdelay $0x2  }
0xb8: {  	s31 =	sshll.u32 s1, $0xD;
	s1 =	sshrl.u32 s1, $0x2  }
0xb9: {  	s3 =	sand.u32 $0x4000, s31;
	s1 =	sadd.s32 s1, s30  }
0xba: {  	s0 =	sor.u32 s3, s0;
	s1 =	sshll.u32 s1, $0x11  }
0xbb: {  	s0 =	sor.u32 s1, s0  }
0xbc: {  	s0 =	sadd.s32 $0x8F2B, s0  }
0xbd: {  	[sflag:s0] =	ssyncadd.remote.s32 $0x1  }
0xbe: {  	_ =	sfence.sel $0xFFFF  }
0xbf: {  	[dreg:$0x0] =	wrdreg $0xFFFFFFFF;
	(pc) =	sbr.abs _section_cstart, $3  }
0xc0: {  	[dreg:$0x1] =	wrdreg $0xFFFFFFFF  }
0xc1: {  	_ =	task.clear_ibuf [dreg:s6], $0x2FFFF;
	_ =	strace $0x9FFFFFFF  }
0xc2: {  	(tm) =	ssettm $0x7FFFFFFF  }
0xc3: {  	_ =	shalt  }
tec
execute0_lowered:
.L_overlay_start_1:
0x0: {  	(tag) =	ssettag $0x1  }
0x1: {  	s6 =	rddreg [dreg:$0x0]  }
0x2: {  	s0 =	srdreg.scid;
	s2 =	rddreg [dreg:$0x1];
	s3 =	simm.s32 $0x0  }
0x3: {  	s16 =	simm.s32 $0x2800;
	s17 =	simm.s32 $0x3;
	s18 =	simm.s32 $0x1400  }
0x4: {  	s19 =	simm.s32 $0x80;
	s20 =	simm.s32 $0x6800;
	s21 =	simm.s32 $0x1  }
0x5: {  	s22 =	simm.s32 $0x2;
	s23 =	simm.s32 $0x1380;
	s5 =	sand.u32 $0x1, s0  }
0x6: {  	s24 =	simm.s32 $0x2700;
	s0 =	stileid.u32;
	s7 =	smul.u32 $0x140000, s5  }
0x7: {  	s25 =	simm.s32 $0x2780;
	s1 =	sshll.u32 s5, $0x4;
	s8 =	smul.u32 $0x14000, s0  }
0x8: {  	s9 =	smul.u32 $0x50000, s0;
	s29 =	ssub.s32 $0x2, s5;
	s1 =	sor.u32 s0, s1  }
0x9: {  	[smem:$0x7FF] =	sst s3;
	s31 =	sshrl.u32 s29, $0x1;
	s4 =	smul.u32 $0x2800, s1  }
0xa: {  	s1 =	rddreg [dreg:$0x2];
	_ =	strace $0x8000004D;
	s7 =	sadd.s32 s8, s7  }
0xb: {  	s30 =	sshrl.u32 s9, $0x2;
	s15 =	ssub.s32 s29, s31;
	s7 =	sshrl.u32 s7, $0x3  }
0xc: {  	s5 =	sadd.s32 s30, s2;
	s15 =	smax.u32 s15, $0x1;
	s4 =	sshrl.u32 s4, $0x3  }
0xd: {  	s14 =	sadd.s32 s7, s6;
	s7 =	sadd.s32 $0x8000, s5;
	s8 =	sadd.s32 $0xC000, s5  }
0xe: {  	s9 =	sadd.s32 $0x10000, s5;
	s13 =	sadd.s32 s4, s6;
	s4 =	sadd.s32 $0x17000, s6  }
0xf: {  	s6 =	sadd.s32 $0x4000, s5;
	s14 =	sadd.s32 $0x3F000, s14;
	s10 =	sadd.s32 $0x3000, s13  }
0x10: {  	v0 =	vimm.f32 $0.0e+00;
	s11 =	sadd.s32 $0xD000, s13;
	s12 =	sadd.s32 $0x3280, s13;
	s13 =	sadd.s32 $0xD280, s13  }
.LBB2_1:
0x11: {  	s26 =	simm.s32 $0x0;
	s28 =	simm.s32 $0x200  }
.LBB2_2:
0x12: {  	p0 =	sne.s32 s28, $0xFE00;
	[tilespmem:s26+$0x2870] =	vst v0  }
0x13: {  	[tilespmem:s26+$0x2800] =	vst v0  }
0x14: {  	[tilespmem:s26+$0x2810] =	vst v0  }
.Ltmp0:
0x15: {  	[tilespmem:s26+$0x2820] =	vst v0;
	(pc) =	sbr.rel @p0 .LBB2_2-.Ltmp0, $4  }
0x16: {  	[tilespmem:s26+$0x2830] =	vst v0  }
0x17: {  	[tilespmem:s26+$0x2840] =	vst v0  }
0x18: {  	[tilespmem:s26+$0x2850] =	vst v0  }
0x19: {  	[tilespmem:s26+$0x2860] =	vst v0;
	s26 =	sshra.s32 s28, $0x2;
	s28 =	sadd.s32 $0x200, s28  }
0x1a: {  	[tilespmem:s26+$0x2870] =	vst v0  }
0x1b: {  	[tilespmem:s26+$0x2800] =	vst v0  }
0x1c: {  	[tilespmem:s26+$0x2810] =	vst v0  }
0x1d: {  	[tilespmem:s26+$0x2820] =	vst v0  }
0x1e: {  	[tilespmem:s26+$0x2830] =	vst v0  }
0x1f: {  	[tilespmem:s26+$0x2840] =	vst v0  }
0x20: {  	[tilespmem:s26+$0x2850] =	vst v0  }
0x21: {  	[tilespmem:s26+$0x2860] =	vst v0  }
0x22: {  	[spmem:s5] =	stream.linear.scatter [tilespmem:s16], [sflag:$0x3], $0x4000, $0x38;
	[tilespmem:$0x1E800] =	vst v63  }
0x23: {  	_ =	swait.ge [sflag:s17], $0x4000  }
0x24: {  	[sflag:s17] =	ssyncset.done $0x0  }
0x25: {  	[sflag:s17] =	ssyncadd.s32 $0xFFFFC000  }
0x26: {  	[spmem:s6] =	stream.linear.scatter [tilespmem:s16], [sflag:$0x3], $0x4000, $0x38;
	[tilespmem:$0x1E800] =	vst v63  }
0x27: {  	_ =	swait.ge [sflag:s17], $0x4000  }
0x28: {  	[sflag:s17] =	ssyncset.done $0x0  }
0x29: {  	[sflag:s17] =	ssyncadd.s32 $0xFFFFC000  }
0x2a: {  	[spmem:s7] =	stream.linear.scatter [tilespmem:s16], [sflag:$0x3], $0x4000, $0x38;
	[tilespmem:$0x1E800] =	vst v63  }
0x2b: {  	_ =	swait.ge [sflag:s17], $0x4000  }
0x2c: {  	[sflag:s17] =	ssyncset.done $0x0  }
0x2d: {  	[sflag:s17] =	ssyncadd.s32 $0xFFFFC000  }
0x2e: {  	[spmem:s8] =	stream.linear.scatter [tilespmem:s16], [sflag:$0x3], $0x4000, $0x38;
	[tilespmem:$0x1E800] =	vst v63  }
0x2f: {  	_ =	swait.ge [sflag:s17], $0x4000  }
0x30: {  	[sflag:s17] =	ssyncset.done $0x0  }
0x31: {  	[sflag:s17] =	ssyncadd.s32 $0xFFFFC000  }
0x32: {  	[spmem:s9] =	stream.linear.scatter [tilespmem:s16], [sflag:$0x3], $0x4000, $0x38;
	[tilespmem:$0x1E800] =	vst v63  }
0x33: {  	_ =	swait.ge [sflag:s17], $0x4000  }
0x34: {  	[sflag:s17] =	ssyncset.done $0x0  }
0x35: {  	[sflag:s17] =	ssyncadd.s32 $0xFFFFC000  }
0x36: {  	s30 =	simm.s32 $0x0;
	[bflag:$0x0] =	sbarrier.arrive $0xFFFF  }
0x37: {  	[tilespmem:s30], [sflag:$0x3] =	stream.linear.gather [hbm4b:s10+s30], $0x1400, $0x38;
	[tilespmem:$0x1E800] =	vst v63  }
0x38: {  	_ =	swait.ge [sflag:s17], $0x1400  }
0x39: {  	[sflag:s17] =	ssyncset.done $0x0  }
0x3a: {  	[sflag:s17] =	ssyncadd.s32 $0xFFFFEC00  }
0x3b: {  	[tilespmem:s18], [sflag:$0x3] =	stream.linear.gather [hbm4b:s11+s30], $0x1400, $0x38;
	[tilespmem:$0x1E800] =	vst v63  }
0x3c: {  	_ =	swait.ge [sflag:s17], $0x1400  }
0x3d: {  	[sflag:s17] =	ssyncset.done $0x0  }
0x3e: {  	[sflag:s17] =	ssyncadd.s32 $0xFFFFEC00  }
0x3f: {  	[tilespmem:s16], [sflag:$0x1] =	stream.indirect.gather [hbm4b:s4+s19], $0x80, s30, s19, $0xb8;
	[tilespmem:$0x1E800] =	vst v63  }
0x40: {  	s31 =	simm.s32 $0x80  }
0x41: {  	[tilespmem:s20], [sflag:$0x2] =	stream.indirect.gather [hbm4b:s4+s19], $0x80, s31, s19, $0xb8;
	[tilespmem:$0x1E800] =	vst v63  }
0x42: {  	_ =	swait.ge [sflag:s21], $0x4000  }
0x43: {  	[sflag:s21] =	ssyncset.done $0x0  }
0x44: {  	s29 =	simm.s32 $0x1400;
	[sflag:s21] =	ssyncadd.s32 $0xFFFFC000  }
0x45: {  	[spmem:s2] =	stream.indirect.scatter.add.f32 [tilespmem:s16], [sflag:$0x3], $0x80, s29, s19, $0xb8;
	[tilespmem:$0x1E800] =	vst v63  }
0x46: {  	_ =	swait.ge [sflag:s17], $0x4000  }
0x47: {  	[sflag:s17] =	ssyncset.done $0x0  }
0x48: {  	s30 =	simm.s32 $0x100;
	[sflag:s17] =	ssyncadd.s32 $0xFFFFC000  }
0x49: {  	[tilespmem:s16], [sflag:$0x1] =	stream.indirect.gather [hbm4b:s4+s19], $0x80, s30, s19, $0xb8;
	[tilespmem:$0x1E800] =	vst v63  }
0x4a: {  	_ =	swait.ge [sflag:s22], $0x4000  }
0x4b: {  	[sflag:s22] =	ssyncset.done $0x0  }
0x4c: {  	s31 =	simm.s32 $0x1480;
	[sflag:s22] =	ssyncadd.s32 $0xFFFFC000  }
0x4d: {  	[spmem:s2] =	stream.indirect.scatter.add.f32 [tilespmem:s20], [sflag:$0x3], $0x80, s31, s19, $0xb8;
	[tilespmem:$0x1E800] =	vst v63  }
0x4e: {  	_ =	swait.ge [sflag:s17], $0x4000  }
0x4f: {  	s28 =	simm.s32 $0x800;
	s26 =	simm.s32 $0x100;
	[sflag:s17] =	ssyncset.done $0x0  }
.LBB2_4:
0x50: {  	s29 =	sadd.s32 $0x80, s26  }
0x51: {  	[sflag:s17] =	ssyncadd.s32 $0xFFFFC000;
	s30 =	smov.u32 s28;
	s31 =	sadd.s32 $0x400, s28  }
0x52: {  	[tilespmem:s20], [sflag:$0x2] =	stream.indirect.gather [hbm4b:s4+s19], $0x80, s29, s19, $0xb8;
	[tilespmem:$0x1E800] =	vst v63  }
0x53: {  	p0 =	sne.s32 s28, $0x4800;
	_ =	swait.ge [sflag:s21], $0x4000  }
0x54: {  	[sflag:s21] =	ssyncset.done $0x0  }
0x55: {  	s28 =	sadd.s32 $0x1400, s26;
	[sflag:s21] =	ssyncadd.s32 $0xFFFFC000  }
0x56: {  	[spmem:s2] =	stream.indirect.scatter.add.f32 [tilespmem:s16], [sflag:$0x3], $0x80, s28, s19, $0xb8;
	[tilespmem:$0x1E800] =	vst v63  }
0x57: {  	_ =	swait.ge [sflag:s17], $0x4000  }
0x58: {  	[sflag:s17] =	ssyncset.done $0x0  }
0x59: {  	s28 =	sadd.s32 $0x100, s26;
	[sflag:s17] =	ssyncadd.s32 $0xFFFFC000  }
0x5a: {  	[tilespmem:s16], [sflag:$0x1] =	stream.indirect.gather [hbm4b:s4+s19], $0x80, s28, s19, $0xb8;
	[tilespmem:$0x1E800] =	vst v63  }
0x5b: {  	_ =	swait.ge [sflag:s22], $0x4000  }
.Ltmp1:
0x5c: {  	[sflag:s22] =	ssyncset.done $0x0;
	(pc) =	sbr.rel @p0 .LBB2_4-.Ltmp1, $4  }
0x5d: {  	s26 =	sadd.s32 $0x1480, s26;
	[sflag:s22] =	ssyncadd.s32 $0xFFFFC000  }
0x5e: {  	[spmem:s2] =	stream.indirect.scatter.add.f32 [tilespmem:s20], [sflag:$0x3], $0x80, s26, s19, $0xb8;
	[tilespmem:$0x1E800] =	vst v63  }
0x5f: {  	_ =	swait.ge [sflag:s17], $0x4000  }
0x60: {  	s28 =	smov.u32 s31;
	s26 =	sshra.s32 s30, $0x2;
	[sflag:s17] =	ssyncset.done $0x0  }
0x61: {  	s28 =	sadd.s32 $0x80, s26;
	[sflag:s17] =	ssyncadd.s32 $0xFFFFC000  }
0x62: {  	[tilespmem:s20], [sflag:$0x2] =	stream.indirect.gather [hbm4b:s4+s19], $0x80, s28, s19, $0xb8;
	[tilespmem:$0x1E800] =	vst v63  }
0x63: {  	_ =	swait.ge [sflag:s21], $0x4000  }
0x64: {  	[sflag:s21] =	ssyncset.done $0x0  }
0x65: {  	s28 =	sadd.s32 $0x1400, s26;
	[sflag:s21] =	ssyncadd.s32 $0xFFFFC000  }
0x66: {  	[spmem:s2] =	stream.indirect.scatter.add.f32 [tilespmem:s16], [sflag:$0x3], $0x80, s28, s19, $0xb8;
	[tilespmem:$0x1E800] =	vst v63  }
0x67: {  	_ =	swait.ge [sflag:s17], $0x4000  }
0x68: {  	[sflag:s17] =	ssyncset.done $0x0  }
0x69: {  	s28 =	sadd.s32 $0x100, s26;
	[sflag:s17] =	ssyncadd.s32 $0xFFFFC000  }
0x6a: {  	[tilespmem:s16], [sflag:$0x1] =	stream.indirect.gather [hbm4b:s4+s19], $0x80, s28, s19, $0xb8;
	[tilespmem:$0x1E800] =	vst v63  }
0x6b: {  	_ =	swait.ge [sflag:s22], $0x4000  }
0x6c: {  	[sflag:s22] =	ssyncset.done $0x0  }
0x6d: {  	s29 =	sadd.s32 $0x1480, s26;
	[sflag:s22] =	ssyncadd.s32 $0xFFFFC000  }
0x6e: {  	[spmem:s2] =	stream.indirect.scatter.add.f32 [tilespmem:s20], [sflag:$0x3], $0x80, s29, s19, $0xb8;
	[tilespmem:$0x1E800] =	vst v63  }
0x6f: {  	_ =	swait.ge [sflag:s17], $0x4000  }
0x70: {  	[sflag:s17] =	ssyncset.done $0x0  }
0x71: {  	[sflag:s17] =	ssyncadd.s32 $0xFFFFC000  }
0x72: {  	[tilespmem:s20], [sflag:$0x2] =	stream.indirect.gather [hbm4b:s4+s19], $0x80, s23, s19, $0xb8;
	[tilespmem:$0x1E800] =	vst v63  }
0x73: {  	_ =	swait.ge [sflag:s21], $0x4000  }
0x74: {  	[sflag:s21] =	ssyncset.done $0x0  }
0x75: {  	[sflag:s21] =	ssyncadd.s32 $0xFFFFC000  }
0x76: {  	[spmem:s2] =	stream.indirect.scatter.add.f32 [tilespmem:s16], [sflag:$0x3], $0x80, s24, s19, $0xb8;
	[tilespmem:$0x1E800] =	vst v63  }
0x77: {  	_ =	swait.ge [sflag:s17], $0x4000  }
0x78: {  	[sflag:s17] =	ssyncset.done $0x0  }
0x79: {  	[sflag:s17] =	ssyncadd.s32 $0xFFFFC000  }
0x7a: {  	_ =	swait.ge [sflag:s22], $0x4000  }
0x7b: {  	[sflag:s22] =	ssyncset.done $0x0  }
0x7c: {  	[sflag:s22] =	ssyncadd.s32 $0xFFFFC000  }
0x7d: {  	[spmem:s2] =	stream.indirect.scatter.add.f32 [tilespmem:s20], [sflag:$0x3], $0x80, s25, s19, $0xb8;
	[tilespmem:$0x1E800] =	vst v63  }
0x7e: {  	_ =	swait.ge [sflag:s17], $0x4000  }
0x7f: {  	[sflag:s17] =	ssyncset.done $0x0  }
0x80: {  	s30 =	simm.s32 $0x0;
	[sflag:s17] =	ssyncadd.s32 $0xFFFFC000  }
0x81: {  	[tilespmem:s30], [sflag:$0x3] =	stream.linear.gather [hbm4b:s12+s30], $0x1400, $0x38;
	[tilespmem:$0x1E800] =	vst v63  }
0x82: {  	_ =	swait.ge [sflag:s17], $0x1400  }
0x83: {  	[sflag:s17] =	ssyncset.done $0x0  }
0x84: {  	[sflag:s17] =	ssyncadd.s32 $0xFFFFEC00  }
0x85: {  	[tilespmem:s18], [sflag:$0x3] =	stream.linear.gather [hbm4b:s13+s30], $0x1400, $0x38;
	[tilespmem:$0x1E800] =	vst v63  }
0x86: {  	_ =	swait.ge [sflag:s17], $0x1400  }
0x87: {  	[sflag:s17] =	ssyncset.done $0x0  }
0x88: {  	[sflag:s17] =	ssyncadd.s32 $0xFFFFEC00  }
0x89: {  	[tilespmem:s16], [sflag:$0x1] =	stream.indirect.gather [hbm4b:s4+s19], $0x80, s30, s19, $0xb8;
	[tilespmem:$0x1E800] =	vst v63  }
0x8a: {  	s31 =	simm.s32 $0x80  }
0x8b: {  	[tilespmem:s20], [sflag:$0x2] =	stream.indirect.gather [hbm4b:s4+s19], $0x80, s31, s19, $0xb8;
	[tilespmem:$0x1E800] =	vst v63  }
0x8c: {  	_ =	swait.ge [sflag:s21], $0x4000  }
0x8d: {  	[sflag:s21] =	ssyncset.done $0x0  }
0x8e: {  	s29 =	simm.s32 $0x1400;
	[sflag:s21] =	ssyncadd.s32 $0xFFFFC000  }
0x8f: {  	[spmem:s2] =	stream.indirect.scatter.add.f32 [tilespmem:s16], [sflag:$0x3], $0x80, s29, s19, $0xb8;
	[tilespmem:$0x1E800] =	vst v63  }
0x90: {  	_ =	swait.ge [sflag:s17], $0x4000  }
0x91: {  	[sflag:s17] =	ssyncset.done $0x0  }
0x92: {  	s30 =	simm.s32 $0x100;
	[sflag:s17] =	ssyncadd.s32 $0xFFFFC000  }
0x93: {  	[tilespmem:s16], [sflag:$0x1] =	stream.indirect.gather [hbm4b:s4+s19], $0x80, s30, s19, $0xb8;
	[tilespmem:$0x1E800] =	vst v63  }
0x94: {  	_ =	swait.ge [sflag:s22], $0x4000  }
0x95: {  	[sflag:s22] =	ssyncset.done $0x0  }
0x96: {  	s31 =	simm.s32 $0x1480;
	[sflag:s22] =	ssyncadd.s32 $0xFFFFC000  }
0x97: {  	[spmem:s2] =	stream.indirect.scatter.add.f32 [tilespmem:s20], [sflag:$0x3], $0x80, s31, s19, $0xb8;
	[tilespmem:$0x1E800] =	vst v63  }
0x98: {  	_ =	swait.ge [sflag:s17], $0x4000  }
0x99: {  	s26 =	simm.s32 $0x100;
	s28 =	simm.s32 $0x800;
	[sflag:s17] =	ssyncset.done $0x0  }
.LBB2_6:
0x9a: {  	s29 =	sadd.s32 $0x80, s26  }
0x9b: {  	[sflag:s17] =	ssyncadd.s32 $0xFFFFC000;
	s30 =	smov.u32 s28;
	s31 =	sadd.s32 $0x400, s28  }
0x9c: {  	[tilespmem:s20], [sflag:$0x2] =	stream.indirect.gather [hbm4b:s4+s19], $0x80, s29, s19, $0xb8;
	[tilespmem:$0x1E800] =	vst v63  }
0x9d: {  	p0 =	sne.s32 s28, $0x4800;
	_ =	swait.ge [sflag:s21], $0x4000  }
0x9e: {  	[sflag:s21] =	ssyncset.done $0x0  }
0x9f: {  	s28 =	sadd.s32 $0x1400, s26;
	[sflag:s21] =	ssyncadd.s32 $0xFFFFC000  }
0xa0: {  	[spmem:s2] =	stream.indirect.scatter.add.f32 [tilespmem:s16], [sflag:$0x3], $0x80, s28, s19, $0xb8;
	[tilespmem:$0x1E800] =	vst v63  }
0xa1: {  	_ =	swait.ge [sflag:s17], $0x4000  }
0xa2: {  	[sflag:s17] =	ssyncset.done $0x0  }
0xa3: {  	s28 =	sadd.s32 $0x100, s26;
	[sflag:s17] =	ssyncadd.s32 $0xFFFFC000  }
0xa4: {  	[tilespmem:s16], [sflag:$0x1] =	stream.indirect.gather [hbm4b:s4+s19], $0x80, s28, s19, $0xb8;
	[tilespmem:$0x1E800] =	vst v63  }
0xa5: {  	_ =	swait.ge [sflag:s22], $0x4000  }
.Ltmp2:
0xa6: {  	[sflag:s22] =	ssyncset.done $0x0;
	(pc) =	sbr.rel @p0 .LBB2_6-.Ltmp2, $4  }
0xa7: {  	s26 =	sadd.s32 $0x1480, s26;
	[sflag:s22] =	ssyncadd.s32 $0xFFFFC000  }
0xa8: {  	[spmem:s2] =	stream.indirect.scatter.add.f32 [tilespmem:s20], [sflag:$0x3], $0x80, s26, s19, $0xb8;
	[tilespmem:$0x1E800] =	vst v63  }
0xa9: {  	_ =	swait.ge [sflag:s17], $0x4000  }
0xaa: {  	s28 =	smov.u32 s31;
	s26 =	sshra.s32 s30, $0x2;
	[sflag:s17] =	ssyncset.done $0x0  }
0xab: {  	s28 =	sadd.s32 $0x80, s26;
	[sflag:s17] =	ssyncadd.s32 $0xFFFFC000  }
0xac: {  	[tilespmem:s20], [sflag:$0x2] =	stream.indirect.gather [hbm4b:s4+s19], $0x80, s28, s19, $0xb8;
	[tilespmem:$0x1E800] =	vst v63  }
0xad: {  	_ =	swait.ge [sflag:s21], $0x4000  }
0xae: {  	[sflag:s21] =	ssyncset.done $0x0  }
0xaf: {  	s30 =	sadd.s32 $0x1400, s26;
	[sflag:s21] =	ssyncadd.s32 $0xFFFFC000  }
0xb0: {  	[spmem:s2] =	stream.indirect.scatter.add.f32 [tilespmem:s16], [sflag:$0x3], $0x80, s30, s19, $0xb8;
	[tilespmem:$0x1E800] =	vst v63  }
0xb1: {  	_ =	swait.ge [sflag:s17], $0x4000  }
0xb2: {  	[sflag:s17] =	ssyncset.done $0x0  }
0xb3: {  	s31 =	sadd.s32 $0x100, s26;
	[sflag:s17] =	ssyncadd.s32 $0xFFFFC000  }
0xb4: {  	[tilespmem:s16], [sflag:$0x1] =	stream.indirect.gather [hbm4b:s4+s19], $0x80, s31, s19, $0xb8;
	[tilespmem:$0x1E800] =	vst v63  }
0xb5: {  	_ =	swait.ge [sflag:s22], $0x4000  }
0xb6: {  	[sflag:s22] =	ssyncset.done $0x0  }
0xb7: {  	s29 =	sadd.s32 $0x1480, s26;
	[sflag:s22] =	ssyncadd.s32 $0xFFFFC000  }
0xb8: {  	[spmem:s2] =	stream.indirect.scatter.add.f32 [tilespmem:s20], [sflag:$0x3], $0x80, s29, s19, $0xb8;
	[tilespmem:$0x1E800] =	vst v63  }
0xb9: {  	_ =	swait.ge [sflag:s17], $0x4000  }
0xba: {  	[sflag:s17] =	ssyncset.done $0x0  }
0xbb: {  	[sflag:s17] =	ssyncadd.s32 $0xFFFFC000  }
0xbc: {  	[tilespmem:s20], [sflag:$0x2] =	stream.indirect.gather [hbm4b:s4+s19], $0x80, s23, s19, $0xb8;
	[tilespmem:$0x1E800] =	vst v63  }
0xbd: {  	_ =	swait.ge [sflag:s21], $0x4000  }
0xbe: {  	[sflag:s21] =	ssyncset.done $0x0  }
0xbf: {  	[sflag:s21] =	ssyncadd.s32 $0xFFFFC000  }
0xc0: {  	[spmem:s2] =	stream.indirect.scatter.add.f32 [tilespmem:s16], [sflag:$0x3], $0x80, s24, s19, $0xb8;
	[tilespmem:$0x1E800] =	vst v63  }
0xc1: {  	_ =	swait.ge [sflag:s17], $0x4000  }
0xc2: {  	[sflag:s17] =	ssyncset.done $0x0  }
0xc3: {  	[sflag:s17] =	ssyncadd.s32 $0xFFFFC000  }
0xc4: {  	_ =	swait.ge [sflag:s22], $0x4000  }
0xc5: {  	[sflag:s22] =	ssyncset.done $0x0  }
0xc6: {  	[sflag:s22] =	ssyncadd.s32 $0xFFFFC000  }
0xc7: {  	[spmem:s2] =	stream.indirect.scatter.add.f32 [tilespmem:s20], [sflag:$0x3], $0x80, s25, s19, $0xb8;
	[tilespmem:$0x1E800] =	vst v63  }
0xc8: {  	_ =	swait.ge [sflag:s17], $0x4000  }
0xc9: {  	s3 =	sadd.s32 $0x1, s3;
	s30 =	sshll.u32 s0, $0x6;
	[sflag:s17] =	ssyncset.done $0x0  }
0xca: {  	p0 =	sne.s32 s3, s15;
	s26 =	sor.u32 $0x1C03, s30;
	[sflag:s17] =	ssyncadd.s32 $0xFFFFC000  }
.Ltmp3:
0xcb: {  	s31 =	sshrl.u32 s5, $0x3;
	[bflag:$0x0] =	sbarrier.arrive $0xFFFF;
	(pc) =	sbr.rel @p0 .LBB2_1-.Ltmp3, $4  }
0xcc: {  	[hbm:s14], [sflag:s26] =	dma.local [spmem:s31], $0x2800  }
0xcd: {  	_ =	swait.ge [sflag:s17], $0x2800  }
0xce: {  	[sflag:s17] =	ssyncset.done $0x0  }
0xcf: {  	[sflag:s17] =	ssyncadd.s32 $0xFFFFD800  }
0xd0: {  	_ =	sfence.sel $0x180000  }
0xd1: {  	[bflag:$0x0] =	sbarrier.arrive $0xFFFF  }
0xd2: {  	p0 =	sne.s32 s0, $0x0;
	_ =	strace $0x9000004D  }
0xd3: {  	s0 =	sadd.s32 @!p0 $0x100000, s1;
	[bflag:$0x2] =	sbarrier.arrive $0xFFFF  }
0xd4: {  	[sflag:s0] =	ssyncadd.tile.s32 @!p0 $0x1;
	_ =	shalt  }
.Lfunc_end2:
_tile_overlayer_lowered:
.L_overlay_start_2:
0xd5: {  	(tag) =	ssettag $0x2  }
0xd6: {  	s0 =	rddreg [dreg:$0x0];
	s2 =	stileid.u32  }
0xd7: {  	s1 =	rddreg [dreg:$0x1];
	p0 =	sne.s32 s2, $0x0  }
0xd8: {  	s3 =	rddreg [dreg:$0x2];
	[bflag:$0x3] =	sbarrier.arrive $0xFFFF;
	s2 =	simm.s32 @!p0 $0x1C03  }
0xd9: {  	[timem:s3], [sflag:s2] =	dma.local @!p0 [hbm:s0], s1  }
0xda: {  	s0 =	simm.s32 @!p0 $0x3  }
0xdb: {  	_ =	swait.ge @!p0 [sflag:s0], s1  }
0xdc: {  	s1 =	ssub.s32 @!p0 $0x0, s1;
	[sflag:s0] =	ssyncset.done @!p0 $0x0  }
0xdd: {  	[sflag:s0] =	ssyncadd.s32 @!p0 s1  }
0xde: {  	[bflag:$0x3] =	sbarrier.arrive $0xFFFF  }
0xdf: {  	_ =	shalt  }

// kernel: kernel.8.cloned.1.call-start
scs
__scs_entry_jumppad:
0x0: {  	(pc) =	sbr.rel $0x88, $3  }
0x1: {  	(tag) =	ssettag $0x0;
	lr =	simm.s32 $0x1  }
0x2: {  	[smem:$0x3F98] =	sst lr;
	_ =	strace $0xD0000000  }
0x3: {  	_ = 	snop  }
0x4: {  	_ = 	snop  }
0x5: {  	_ = 	snop  }
0x6: {  	_ = 	snop  }
0x7: {  	_ = 	snop  }
__scs_overlays_trampoline_lowered:
0x8: {  	[smem:$0x3FA7] =	sst s0  }
0x9: {  	[smem:$0x3FA8] =	sst s1  }
0xa: {  	[smem:$0x3FA9] =	sst s2  }
0xb: {  	[smem:$0x3FAA] =	sst s3  }
0xc: {  	[smem:$0x3FAB] =	sst s4  }
0xd: {  	[smem:$0x3FAC] =	sst s5  }
0xe: {  	[smem:$0x3FAD] =	sst s6  }
0xf: {  	[smem:$0x3FAE] =	sst s7  }
0x10: {  	[smem:$0x3FAF] =	sst s8  }
0x11: {  	[smem:$0x3FB0] =	sst s9;
	s0 =	simm.s32 @!p0 $0x0  }
0x12: {  	s1 =	sld [smem:$0x3F96];
	s0 =	simm.s32 @p0 $0x1  }
0x13: {  	[smem:$0x3FB1] =	sst s0;
	s0 =	simm.s32 @!p1 $0x0  }
0x14: {  	s2 =	sld [smem:$0x3F95];
	s0 =	simm.s32 @p1 $0x1  }
0x15: {  	[smem:$0x3FB2] =	sst s0;
	s0 =	simm.s32 @!p2 $0x0  }
0x16: {  	s3 =	sld [smem:$0x3FDB];
	s0 =	simm.s32 @p2 $0x1  }
0x17: {  	s4 =	simm.s32 $0x1BF5;
	[smem:$0x3FB4] =	sst s0  }
0x18: {  	s0 =	sld [smem:$0x3F97];
	_ =	swait.ge [sflag:s4], $0x0  }
0x19: {  	s7 =	sld [smem:$0x3F98]  }
0x1a: {  	s8 =	sadd.s32 $0xFFFFE003, lr  }
0x1b: {  	s9 =	sadd.s32 $0xFFFFFEF7, lr;
	s5 =	simm.s32 $0xFFFFFFFF;
	p2 =	slt.u32 s8, $0xFFFFF086  }
0x1c: {  	p1 =	slt.u32 s9, $0xF7A;
	s5 =	simm.s32 @!p2 $0x0  }
0x1d: {  	s5 =	simm.s32 @p1 $0x1;
	p0 =	seq.s32 s7, s2  }
0x1e: {  	s7 =	smul.u32 @!p0 $0xF7A, s2;
	p2 =	seq.s32 @!p0 s5, $0x0  }
0x1f: {  	s9 =	smul.u32 $0xF7A, s1;
	s8 =	simm.s32 @!p0 $0x1BF5;
	p2 =	por !p2, p0  }
0x20: {  	[sflag:s8] =	ssyncset.s32 @!p0 $0xFFFFF086;
	s6 =	sadd.s32 @!p0 s3, s7;
	s7 =	simm.s32 @!p0 $0x108  }
0x21: {  	s3 =	sadd.s32 s3, s9;
	s6 =	sadd.s32 @!p0 $0x88, s6;
	s7 =	simm.s32 @p2 $0x1082  }
0x22: {  	[simem:s7], [sflag:s8] =	dma.local @!p0 [hbm:s6], $0xF7A  }
0x23: {  	s9 =	sor.u32 $0xD0000000, s2;
	s6 =	simm.s32 $0x108;
	_ =	swait.ge @!p0 [sflag:s8], $0x0  }
0x24: {  	s3 =	sadd.s32 $0x88, s3;
	s6 =	simm.s32 @!p1 $0x1082;
	[sflag:s4] =	ssyncset.s32 $0xFFFFF086  }
0x25: {  	[simem:s6], [sflag:s4] =	dma.local [hbm:s3], $0xF7A  }
0x26: {  	[smem:$0x3F98] =	sst s1;
	(tag) =	ssettag s2;
	_ =	strace s9  }
0x27: {  	s1 =	sld [smem:$0x3FA8]  }
0x28: {  	s2 =	sld [smem:$0x3FA9]  }
0x29: {  	s4 =	sld [smem:$0x3FAB]  }
0x2a: {  	p0 =	seq.s32 s5, $0x0;
	s5 =	sld [smem:$0x3FAC]  }
0x2b: {  	s6 =	sld [smem:$0x3FAD]  }
0x2c: {  	s7 =	sld [smem:$0x3FAE]  }
0x2d: {  	s3 =	simm.s32 $0x108;
	s8 =	sld [smem:$0x3FAF]  }
0x2e: {  	s3 =	simm.s32 @!p0 $0x1082;
	s9 =	sld [smem:$0x3FB0]  }
0x2f: {  	lr =	sadd.s32 s0, s3;
	s0 =	sld [smem:$0x3FA7]  }
0x30: {  	s3 =	sld [smem:$0x3FAA]  }
0x31: {  	[smem:$0x3FB3] =	sst s10  }
0x32: {  	s10 =	sld [smem:$0x3FB1];
	_ =	sdelay $0x3  }
0x33: {  	p0 =	seq.s32 s10, $0x1;
	s10 =	sld [smem:$0x3FB3];
	_ =	sdelay $0x3  }
0x34: {  	[smem:$0x3FB3] =	sst s10  }
0x35: {  	s10 =	sld [smem:$0x3FB2];
	_ =	sdelay $0x3  }
0x36: {  	p1 =	seq.s32 s10, $0x1;
	s10 =	sld [smem:$0x3FB3];
	_ =	sdelay $0x3  }
0x37: {  	[smem:$0x3FB3] =	sst s10  }
0x38: {  	s10 =	sld [smem:$0x3FB4]  }
0x39: {  	_ = 	snop;
	(pc) =	sbr.ind lr, $3  }
0x3a: {  	_ = 	snop  }
0x3b: {  	_ = 	snop  }
0x3c: {  	p2 =	seq.s32 s10, $0x1;
	s10 =	sld [smem:$0x3FB3]  }
0x3d: {  	_ =	shalt  }
0x3e: {  	_ =	shalt  }
0x3f: {  	_ =	shalt  }
0x40: {  	_ =	shalt  }
0x41: {  	_ =	shalt  }
0x42: {  	_ =	shalt  }
0x43: {  	_ =	shalt  }
0x44: {  	_ =	shalt  }
0x45: {  	_ =	shalt  }
0x46: {  	_ =	shalt  }
0x47: {  	_ =	shalt  }
0x48: {  	_ =	shalt  }
0x49: {  	_ =	shalt  }
0x4a: {  	_ =	shalt  }
0x4b: {  	_ =	shalt  }
0x4c: {  	_ =	shalt  }
0x4d: {  	_ =	shalt  }
0x4e: {  	_ =	shalt  }
0x4f: {  	_ =	shalt  }
0x50: {  	_ =	shalt  }
0x51: {  	_ =	shalt  }
0x52: {  	_ =	shalt  }
0x53: {  	_ =	shalt  }
0x54: {  	_ =	shalt  }
0x55: {  	_ =	shalt  }
0x56: {  	_ =	shalt  }
0x57: {  	_ =	shalt  }
0x58: {  	_ =	shalt  }
0x59: {  	_ =	shalt  }
0x5a: {  	_ =	shalt  }
0x5b: {  	_ =	shalt  }
0x5c: {  	_ =	shalt  }
0x5d: {  	_ =	shalt  }
0x5e: {  	_ =	shalt  }
0x5f: {  	_ =	shalt  }
0x60: {  	_ =	shalt  }
0x61: {  	_ =	shalt  }
0x62: {  	_ =	shalt  }
0x63: {  	_ =	shalt  }
0x64: {  	_ =	shalt  }
0x65: {  	_ =	shalt  }
0x66: {  	_ =	shalt  }
0x67: {  	_ =	shalt  }
0x68: {  	_ =	shalt  }
0x69: {  	_ =	shalt  }
0x6a: {  	_ =	shalt  }
0x6b: {  	_ =	shalt  }
0x6c: {  	_ =	shalt  }
0x6d: {  	_ =	shalt  }
0x6e: {  	_ =	shalt  }
0x6f: {  	_ =	shalt  }
0x70: {  	_ =	shalt  }
0x71: {  	_ =	shalt  }
0x72: {  	_ =	shalt  }
0x73: {  	_ =	shalt  }
0x74: {  	_ =	shalt  }
0x75: {  	_ =	shalt  }
0x76: {  	_ =	shalt  }
0x77: {  	_ =	shalt  }
0x78: {  	_ =	shalt  }
0x79: {  	_ =	shalt  }
0x7a: {  	_ =	shalt  }
0x7b: {  	_ =	shalt  }
0x7c: {  	_ =	shalt  }
0x7d: {  	_ =	shalt  }
0x7e: {  	_ =	shalt  }
0x7f: {  	_ =	shalt  }
0x80: {  	_ =	shalt  }
0x81: {  	_ =	shalt  }
0x82: {  	_ =	shalt  }
0x83: {  	_ =	shalt  }
0x84: {  	_ =	shalt  }
0x85: {  	_ =	shalt  }
0x86: {  	_ =	shalt  }
0x87: {  	_ =	shalt  }
.Lfunc_end0:
.L_simem_size_0:
called_computation_lowered:
.L_overlay_start_0:
0x88: {  	s2 =	sld [smem:$0x3FD9]  }
0x89: {  	s3 =	sld [smem:$0x3FFE];
	_ =	sdelay $0x1  }
0x8a: {  	s1 =	srdreg.scid  }
0x8b: {  	s0 =	sand.u32 $0x1, s1  }
0x8c: {  	s16 =	sshll.u32 s0, $0xA;
	s2 =	sadd.s32 s3, s2  }
0x8d: {  	s2 =	sadd.s32 s2, s16  }
0x8e: {  	[smem:$0x3FBF] =	sst s2  }
0x8f: {  	_ = 	snop  }
0x90: {  	(tm) =	ssettm $0x1  }
0x91: {  	s17 =	sld [smem:$0x3FFB];
	_ =	sdelay $0x3  }
0x92: {  	_ =	strace s17  }
0x93: {  	s2 =	sld [smem:$0x3FFC];
	_ =	sdelay $0x3  }
0x94: {  	_ =	strace s2  }
0x95: {  	s2 =	sld [smem:$0x3FFD];
	_ =	sdelay $0x3  }
0x96: {  	_ =	strace s2  }
0x97: {  	_ =	strace $0x8FFFFFFF  }
0x98: {  	s18 =	sld [smem:$0x3FDB];
	_ =	sdelay $0x1  }
0x99: {  	s19 =	simm.s32 $_scs_section_size  }
0x9a: {  	s4 =	simm.s32 $_size__tile_overlayer_lowered;
	s5 =	simm.s32 $_tile_overlayer_lowered  }
0x9b: {  	s22 =	simm.s32 $0x1BFF;
	s21 =	sshll.u32 s5, $0x1;
	s2 =	sadd.s32 s19, s18  }
0x9c: {  	s6 =	simm.s32 $0x0;
	s20 =	sshll.u32 s4, $0x1;
	s4 =	sadd.s32 s21, s2  }
0x9d: {  	[timem:s6], [sflag:s22] =	dma.local [hbm:s4], s20  }
0x9e: {  	_ =	swait.ge [sflag:s22], s20  }
0x9f: {  	s3 =	ssub.s32 $0x0, s20;
	[sflag:s22] =	ssyncset.done $0x0  }
0xa0: {  	[sflag:s22] =	ssyncadd.s32 s3;
	_ =	sdelay $0x1  }
0xa1: {  	s23 =	simm.s32 $0x1B8B  }
0xa2: {  	_ =	swait.ge [sflag:s23], $0x1  }
0xa3: {  	[sflag:s23] =	ssyncset.done $0x0  }
0xa4: {  	s25 =	simm.s32 $0x1B8E;
	s24 =	sld [smem:$0x3FFE];
	[sflag:s23] =	ssyncadd.s32 $0xFFFFFFFF  }
0xa5: {  	s26 =	simm.s32 $execute0_lowered;
	[smem:$0x3FD2] =	sst s25  }
0xa6: {  	s4 =	sshll.u32 s26, $0x1;
	_ =	strace $0x80000046;
	[dreg:$0x1] =	wrdreg $0xFFFFFFFF  }
0xa7: {  	s28 =	simm.s32 $_size_execute0_lowered;
	s2 =	sadd.s32 s2, s4;
	[dreg:$0x0] =	wrdreg $0x0  }
0xa8: {  	s4 =	sshll.u32 s28, $0x1;
	[dreg:$0x2] =	wrdreg s2  }
0xa9: {  	[dreg:$0x3] =	wrdreg s4  }
0xaa: {  	[dreg:$0x4] =	wrdreg $0xC0  }
0xab: {  	_ =	task [dreg:s6], $0x5FFFF  }
0xac: {  	[dreg:$0x1] =	wrdreg $0xFFFFFFFF  }
0xad: {  	[dreg:$0x0] =	wrdreg $0x60  }
0xae: {  	[dreg:$0x2] =	wrdreg s24  }
0xaf: {  	[dreg:$0x3] =	wrdreg $0x9  }
0xb0: {  	_ =	task.clear_ibuf [dreg:s6], $0x4FFFF;
	_ =	strace $0x90000046  }
0xb1: {  	s29 =	simm.s32 $0x9;
	_ =	strace $0x80000048  }
0xb2: {  	_ =	swait.ge [sflag:s29], $0x1  }
0xb3: {  	[sflag:s29] =	ssyncadd.s32 $0xFFFFFFFF  }
0xb4: {  	_ =	strace $0x90000048  }
0xb5: {  	_ =	sfence  }
0xb6: {  	s30 =	sld [smem:$0x0];
	_ =	sdelay $0x2  }
0xb7: {  	s31 =	sshll.u32 s1, $0xD;
	s1 =	sshrl.u32 s1, $0x2  }
0xb8: {  	s3 =	sand.u32 $0x4000, s31;
	s1 =	sadd.s32 s1, s30  }
0xb9: {  	s0 =	sor.u32 s3, s0;
	s1 =	sshll.u32 s1, $0x11  }
0xba: {  	s0 =	sor.u32 s1, s0  }
0xbb: {  	s0 =	sadd.s32 $0x8F2B, s0  }
0xbc: {  	[sflag:s0] =	ssyncadd.remote.s32 $0x1  }
0xbd: {  	_ =	sfence.sel $0xFFFF  }
0xbe: {  	[dreg:$0x0] =	wrdreg $0xFFFFFFFF;
	(pc) =	sbr.abs _section_cstart, $3  }
0xbf: {  	[dreg:$0x1] =	wrdreg $0xFFFFFFFF  }
0xc0: {  	_ =	task.clear_ibuf [dreg:s6], $0x2FFFF;
	_ =	strace $0x9FFFFFFF  }
0xc1: {  	(tm) =	ssettm $0x7FFFFFFF  }
tec
execute0_lowered:
.L_overlay_start_1:
0x0: {  	(tag) =	ssettag $0x1  }
0x1: {  	s0 =	srdreg.scid  }
0x2: {  	s4 =	rddreg [dreg:$0x0];
	s2 =	simm.s32 $0x0;
	s3 =	sand.u32 $0x1, s0  }
0x3: {  	s8 =	simm.s32 $0x80;
	s0 =	stileid.u32;
	s1 =	sshll.u32 s3, $0x4  }
0x4: {  	s9 =	simm.s32 $0x400;
	s10 =	simm.s32 $0x0;
	s5 =	sor.u32 s0, s1  }
0x5: {  	[smem:$0x7FF] =	sst s2;
	s7 =	sshll.u32 s0, $0x7;
	s6 =	sshrl.u32 s5, $0x3  }
0x6: {  	s3 =	ssub.s32 $0x2, s3;
	s1 =	rddreg [dreg:$0x1];
	s6 =	smul.u32 $0x14000, s6  }
0x7: {  	s7 =	sand.u32 $0x380, s7;
	s30 =	sshrl.u32 s3, $0x1;
	s5 =	smul.u32 $0x2800, s5  }
0x8: {  	_ =	strace $0x80000047;
	s31 =	ssub.s32 s3, s30;
	s6 =	sor.u32 s7, s6  }
0x9: {  	s5 =	sshrl.u32 s5, $0x3;
	s7 =	simm.s32 $0x2800;
	s6 =	sshrl.u32 s6, $0x3  }
0xa: {  	s6 =	sadd.s32 s6, s4;
	s4 =	sadd.s32 s4, s5;
	s5 =	smax.u32 s31, $0x1  }
0xb: {  	v0 =	vimm.f32 $0.0e+00;
	v1 =	vimm.f32 $1.000000000e+00;
	s3 =	sadd.s32 $0xD000, s4;
	s4 =	sadd.s32 $0x17000, s6;
	s6 =	simm.s32 $0x1  }
.LBB2_1:
0xc: {  	s11 =	simm.s32 $0x40;
	s12 =	simm.s32 $0x0  }
.LBB2_2:
0xd: {  	p0 =	sne.s32 s11, $0x9FC0;
	[tilespmem:s12+$0x2800] =	vst v0;
	s12 =	smov.u32 s11;
	s11 =	sadd.s32 $0x40, s11  }
.Ltmp0:
0xe: {  	(pc) =	sbr.rel @p0 .LBB2_2-.Ltmp0, $2  }
0xf: {  	_ =	sdelay $0x2  }
0x10: {  	s12 =	sshra.s32 s12, $0x2  }
0x11: {  	[tilespmem:s12+$0x2800] =	vst v0  }
0x12: {  	[tilespmem:s2], [sflag:$0x1] =	stream.linear.gather [hbm4b:s3+s2], $0x2800, $0x38;
	[tilespmem:$0x5000] =	vst v63  }
0x13: {  	_ =	swait.ge [sflag:s6], $0x2800  }
0x14: {  	[sflag:s6] =	ssyncset.done $0x0  }
0x15: {  	s11 =	simm.s32 $0x1C0;
	[sflag:s6] =	ssyncadd.s32 $0xFFFFD800  }
.LBB2_4:
0x16: {  	s12 =	sshra.s32 s11, $0x2  }
0x17: {  	v2 =	vld [tilespmem:s12+$0xFFFFFF90];
	_ =	sdelay $0x7  }
0x18: {  	[tilespmem:v2+s7+$0x0] =	vst.idx.add.f32.msk $0xffff, v1  }
0x19: {  	v2 =	vld [tilespmem:s12+$0xFFFFFFA0];
	_ =	sdelay $0x7  }
0x1a: {  	[tilespmem:v2+s7+$0x0] =	vst.idx.add.f32.msk $0xffff, v1  }
0x1b: {  	v2 =	vld [tilespmem:s12+$0xFFFFFFB0];
	_ =	sdelay $0x7  }
0x1c: {  	[tilespmem:v2+s7+$0x0] =	vst.idx.add.f32.msk $0xffff, v1  }
0x1d: {  	v2 =	vld [tilespmem:s12+$0xFFFFFFC0];
	_ =	sdelay $0x7  }
0x1e: {  	[tilespmem:v2+s7+$0x0] =	vst.idx.add.f32.msk $0xffff, v1  }
0x1f: {  	v2 =	vld [tilespmem:s12+$0xFFFFFFD0];
	_ =	sdelay $0x7  }
0x20: {  	[tilespmem:v2+s7+$0x0] =	vst.idx.add.f32.msk $0xffff, v1  }
0x21: {  	v2 =	vld [tilespmem:s12+$0xFFFFFFE0];
	_ =	sdelay $0x7  }
0x22: {  	[tilespmem:v2+s7+$0x0] =	vst.idx.add.f32.msk $0xffff, v1  }
0x23: {  	v2 =	vld [tilespmem:s12+$0xFFFFFFF0];
	_ =	sdelay $0x7  }
0x24: {  	[tilespmem:v2+s7+$0x0] =	vst.idx.add.f32.msk $0xffff, v1  }
0x25: {  	v2 =	vld [tilespmem:s12+$0x0];
	_ =	sdelay $0x2  }
0x26: {  	p0 =	sne.s32 s11, $0x9FC0  }
.Ltmp1:
0x27: {  	_ = 	snop;
	(pc) =	sbr.rel @p0 .LBB2_4-.Ltmp1, $2  }
0x28: {  	_ =	sdelay $0x2  }
0x29: {  	s11 =	sadd.s32 $0x200, s11;
	[tilespmem:v2+s7+$0x0] =	vst.idx.add.f32.msk $0xffff, v1  }
0x2a: {  	s10 =	sadd.s32 $0x1, s10  }
0x2b: {  	p0 =	sne.s32 s10, s5  }
.Ltmp2:
0x2c: {  	_ = 	snop;
	(pc) =	sbr.rel @p0 .LBB2_1-.Ltmp2, $4  }
0x2d: {  	[hbm4b:s4+s8] =	stream.strided.scatter [tilespmem:s7], [sflag:$0x1], $0x2800, s9, s8, $0x38;
	[tilespmem:$0x5000] =	vst v63  }
0x2e: {  	_ =	swait.ge [sflag:s6], $0x2800  }
0x2f: {  	[sflag:s6] =	ssyncset.done $0x0  }
0x30: {  	[sflag:s6] =	ssyncadd.s32 $0xFFFFD800  }
0x31: {  	_ =	sfence.sel $0x180000  }
0x32: {  	[bflag:$0x0] =	sbarrier.arrive $0xFFFF  }
0x33: {  	p0 =	sne.s32 s0, $0x0;
	_ =	strace $0x90000047  }
0x34: {  	s0 =	sadd.s32 @!p0 $0x100000, s1;
	[bflag:$0x2] =	sbarrier.arrive $0xFFFF  }
0x35: {  	[sflag:s0] =	ssyncadd.tile.s32 @!p0 $0x1;
	_ =	shalt  }
.Lfunc_end2:
_tile_overlayer_lowered:
.L_overlay_start_2:
0x36: {  	(tag) =	ssettag $0x2  }
0x37: {  	s0 =	rddreg [dreg:$0x0];
	s2 =	stileid.u32  }
0x38: {  	s1 =	rddreg [dreg:$0x1];
	p0 =	sne.s32 s2, $0x0  }
0x39: {  	s3 =	rddreg [dreg:$0x2];
	[bflag:$0x3] =	sbarrier.arrive $0xFFFF;
	s2 =	simm.s32 @!p0 $0x1C01  }
0x3a: {  	[timem:s3], [sflag:s2] =	dma.local @!p0 [hbm:s0], s1  }
0x3b: {  	s0 =	simm.s32 @!p0 $0x1  }
0x3c: {  	_ =	swait.ge @!p0 [sflag:s0], s1  }
0x3d: {  	s1 =	ssub.s32 @!p0 $0x0, s1;
	[sflag:s0] =	ssyncset.done @!p0 $0x0  }
0x3e: {  	[sflag:s0] =	ssyncadd.s32 @!p0 s1  }
0x3f: {  	[bflag:$0x3] =	sbarrier.arrive $0xFFFF  }
0x40: {  	_ =	shalt  }

</sc_bundles>
